<compile_context>
chip_gen: v7x
topology: tpu7x:2x2x1
jax: 0.10.2.dev20260603
libtpu: 0.0.44.dev20260713+nightly
codegen_flags: <defaults>
</compile_context>

<pallas_src>
import functools

import jax
import jax.numpy as jnp
import numpy as np
from jax import lax
from jax.experimental import pallas as pl
from jax.experimental.pallas import tpu as pltpu
from jax.experimental.pallas import tpu_sc as plsc

N = 100000
E = 6400000
SUPPORT = 0.05
DT = 0.002
C0 = -140.0 / (np.pi * SUPPORT ** 3)

NC, NS = 2, 16
NW = NC * NS
EPW = E // NW
CHUNK = 2000
NCHUNK = EPW // CHUNK
G = CHUNK
NG = CHUNK // G
NGRP = CHUNK // 16

NP_PAD = 100016
SLAB_BIG = 3136
SLAB_SMALL = 3120
NBIG = 10
ACC_TILE = NP_PAD // NS

@functools.cache
def _mesh():
    return plsc.VectorSubcoreMesh(
        core_axis_name="c", subcore_axis_name="s",
        num_cores=NC, num_subcores=NS)


def _worker_and_base():
    cc = lax.axis_index("c")
    ss = lax.axis_index("s")
    w = ss * NC + cc
    base = jnp.where(w < NBIG, w * SLAB_BIG,
                     NBIG * SLAB_BIG + (w - NBIG) * SLAB_SMALL)
    return w, base


def _iota16():
    return lax.iota(jnp.int32, 16)



_BE = 10240
_BR = _BE // 128

def _tc_body(nb_ref, q2_ref, dt_ref, i_ref, j_ref, gx_ref, gy_ref):
    nb = nb_ref[...]
    i_ref[...] = nb[0].reshape(_BR, 128)
    j_ref[...] = nb[1].reshape(_BR, 128)
    qv = q2_ref[...]
    dv = dt_ref[...]
    t1 = 1.0 - qv
    wv = jnp.where(qv <= 1.0, (C0 * qv) * (t1 * t1 * t1), 0.0)
    gx_ref[...] = wv * dv[0].reshape(_BR, 128)
    gy_ref[...] = wv * dv[1].reshape(_BR, 128)


@functools.cache
def _tc_prep():
    e128 = E // 128
    return pl.pallas_call(
        _tc_body,
        grid=(E // _BE,),
        in_specs=[
            pl.BlockSpec((2, _BE), lambda g: (0, g)),
            pl.BlockSpec((_BR, 128), lambda g: (g, 0)),
            pl.BlockSpec((2, _BE), lambda g: (0, g)),
        ],
        out_specs=[pl.BlockSpec((_BR, 128), lambda g: (g, 0))] * 4,
        out_shape=(jax.ShapeDtypeStruct((e128, 128), jnp.int32),
                   jax.ShapeDtypeStruct((e128, 128), jnp.int32),
                   jax.ShapeDtypeStruct((e128, 128), jnp.float32),
                   jax.ShapeDtypeStruct((e128, 128), jnp.float32)),
    )



_BN = 25600
NV_PAD = 102400

def _tcv_body(vt_ref, vx_ref, vy_ref):
    vt = vt_ref[...]
    vx_ref[...] = vt[0].reshape(_BN // 128, 128)
    vy_ref[...] = vt[1].reshape(_BN // 128, 128)


@functools.cache
def _tc_vel():
    return pl.pallas_call(
        _tcv_body,
        grid=(NV_PAD // _BN,),
        in_specs=[pl.BlockSpec((2, _BN), lambda g: (0, g))],
        out_specs=[pl.BlockSpec((_BN // 128, 128), lambda g: (g, 0))] * 2,
        out_shape=(jax.ShapeDtypeStruct((NV_PAD // 128, 128), jnp.float32),
                   jax.ShapeDtypeStruct((NV_PAD // 128, 128), jnp.float32)),
    )


def _prep_body(area_h, rho0_h, aa_h, dens_h, press_h, vx_h, vy_h, table_h,
               area_v, rho0_v, aa_v, dens_v, press_v, vx_sv, vy_sv, tab_v):
    w, base = _worker_and_base()
    pltpu.sync_copy(area_h.at[pl.ds(base, SLAB_BIG)], area_v)
    pltpu.sync_copy(rho0_h.at[pl.ds(base, SLAB_BIG)], rho0_v)
    pltpu.sync_copy(aa_h.at[pl.ds(base, SLAB_BIG)], aa_v)
    pltpu.sync_copy(dens_h.at[pl.ds(base, SLAB_BIG)], dens_v)
    pltpu.sync_copy(press_h.at[pl.ds(base, SLAB_BIG)], press_v)
    pltpu.sync_copy(vx_h.at[pl.ds(base, SLAB_BIG)], vx_sv)
    pltpu.sync_copy(vy_h.at[pl.ds(base, SLAB_BIG)], vy_sv)
    iota = _iota16()
    z16 = jnp.zeros((16,), jnp.int32)

    def grp(k, carry):
        o = k * 16
        rows = o + iota
        ar = area_v[pl.ds(o, 16)]
        r0 = rho0_v[pl.ds(o, 16)]
        aa = aa_v[pl.ds(o, 16)]
        dn = dens_v[pl.ds(o, 16)]
        pr = press_v[pl.ds(o, 16)]
        vx = vx_sv[pl.ds(o, 16)]
        vy = vy_sv[pl.ds(o, 16)]
        m = ar * r0
        bb = aa * aa / m
        cp = 0.0 - m
        tt = dn * r0
        pv = pr / (tt * tt)
        dd = cp * pv
        plsc.store_scatter(tab_v, [rows, z16], aa)
        plsc.store_scatter(tab_v, [rows, z16 + 1], bb)
        plsc.store_scatter(tab_v, [rows, z16 + 2], cp)
        plsc.store_scatter(tab_v, [rows, z16 + 3], dd)
        plsc.store_scatter(tab_v, [rows, z16 + 4], vx)
        plsc.store_scatter(tab_v, [rows, z16 + 5], vy)
        return carry

    lax.fori_loop(0, SLAB_BIG // 16, grp, 0)

    @pl.when(w < NBIG)
    def _():
        pltpu.sync_copy(tab_v, table_h.at[pl.ds(base, SLAB_BIG)])

    @pl.when(w >= NBIG)
    def _():
        pltpu.sync_copy(tab_v.at[pl.ds(0, SLAB_SMALL)],
                        table_h.at[pl.ds(base, SLAB_SMALL)])


@functools.cache
def _prep():
    return pl.kernel(
    _prep_body,
    out_type=jax.ShapeDtypeStruct((N, 8), jnp.float32),
    mesh=_mesh(),
    compiler_params=pltpu.CompilerParams(needs_layout_passes=False, use_tc_tiling_on_sc=False),
    scratch_types=[
        pltpu.VMEM((SLAB_BIG,), jnp.float32),
        pltpu.VMEM((SLAB_BIG,), jnp.float32),
        pltpu.VMEM((SLAB_BIG,), jnp.float32),
        pltpu.VMEM((SLAB_BIG,), jnp.float32),
        pltpu.VMEM((SLAB_BIG,), jnp.float32),
        pltpu.VMEM((SLAB_BIG,), jnp.float32),
        pltpu.VMEM((SLAB_BIG,), jnp.float32),
        pltpu.VMEM((SLAB_BIG, 8), jnp.float32),
    ],
    )


def _edge_body(i_h, j_h, gx_h, gy_h, table_h, zeros_h, acc_out,
               i_v, j_v, gx_v, gy_v, rowsj, outrows, acc_sh, gsem, ssem):
    cc = lax.axis_index("c")
    ss = lax.axis_index("s")
    w = ss * NC + cc
    pltpu.sync_copy(zeros_h, acc_sh.at[pl.ds(ss * ACC_TILE, ACC_TILE)])
    plsc.subcore_barrier()

    iota = _iota16()
    z16 = jnp.zeros((16,), jnp.int32)
    ebase = w * EPW

    def chunk(t, carry):
        eb = ebase + t * CHUNK
        pltpu.sync_copy(i_h.at[pl.ds(eb, CHUNK)], i_v)
        pltpu.sync_copy(j_h.at[pl.ds(eb, CHUNK)], j_v)
        pltpu.sync_copy(gx_h.at[pl.ds(eb, CHUNK)], gx_v)
        pltpu.sync_copy(gy_h.at[pl.ds(eb, CHUNK)], gy_v)
        pltpu.async_copy(table_h.at[j_v], rowsj, gsem).wait()

        def grp(k, c2):
            o = k * 16
            rows = o + iota
            gx = gx_v[pl.ds(o, 16)]
            gy = gy_v[pl.ds(o, 16)]
            av = plsc.load_gather(rowsj, [rows, z16])
            bv = plsc.load_gather(rowsj, [rows, z16 + 1])
            cp = plsc.load_gather(rowsj, [rows, z16 + 2])
            dv = plsc.load_gather(rowsj, [rows, z16 + 3])
            vx = plsc.load_gather(rowsj, [rows, z16 + 4])
            vy = plsc.load_gather(rowsj, [rows, z16 + 5])
            g2 = gx * gx + gy * gy
            plsc.store_scatter(outrows, [rows, z16], av * gx)
            plsc.store_scatter(outrows, [rows, z16 + 1], av * gy)
            plsc.store_scatter(outrows, [rows, z16 + 2], bv * g2)
            plsc.store_scatter(outrows, [rows, z16 + 3],
                               av * (vx * gx + vy * gy))
            plsc.store_scatter(outrows, [rows, z16 + 4], cp * gx)
            plsc.store_scatter(outrows, [rows, z16 + 5], cp * gy)
            plsc.store_scatter(outrows, [rows, z16 + 6], dv * gx)
            plsc.store_scatter(outrows, [rows, z16 + 7], dv * gy)
            return c2

        lax.fori_loop(0, NGRP, grp, 0)
        pltpu.async_copy(outrows, acc_sh.at[i_v], ssem, add=True).wait()
        return carry

    lax.fori_loop(0, NCHUNK, chunk, 0)
    plsc.subcore_barrier()
    pltpu.sync_copy(acc_sh.at[pl.ds(ss * ACC_TILE, ACC_TILE)],
                    acc_out.at[cc, pl.ds(ss * ACC_TILE, ACC_TILE)])


@functools.cache
def _edges():
    return pl.kernel(
    _edge_body,
    out_type=jax.ShapeDtypeStruct((NC, NP_PAD, 8), jnp.float32),
    mesh=_mesh(),
    compiler_params=pltpu.CompilerParams(needs_layout_passes=False, use_tc_tiling_on_sc=False),
    scratch_types=(
        [pltpu.VMEM((CHUNK,), jnp.int32)] * 2
        + [pltpu.VMEM((CHUNK,), jnp.float32)] * 2
        + [pltpu.VMEM((CHUNK, 8), jnp.float32)] * 2
        + [pltpu.VMEM_SHARED((NP_PAD, 8), jnp.float32)]
        + [pltpu.SemaphoreType.DMA] * 2
    ),
    )


def _fin_body(acc_h, area_h, rho0_h, aa_h, dens_h, press_h, vx_h, vy_h,
              alpha_h, source_h, ax_h, ay_h,
              acca, accb, area_v, rho0_v, aa_v, dens_v, press_v, vx_sv, vy_sv,
              alpha_v, src_v, ax_v, ay_v):
    w, base = _worker_and_base()
    pltpu.sync_copy(acc_h.at[0, pl.ds(base, SLAB_BIG)], acca)
    pltpu.sync_copy(acc_h.at[1, pl.ds(base, SLAB_BIG)], accb)
    pltpu.sync_copy(area_h.at[pl.ds(base, SLAB_BIG)], area_v)
    pltpu.sync_copy(rho0_h.at[pl.ds(base, SLAB_BIG)], rho0_v)
    pltpu.sync_copy(aa_h.at[pl.ds(base, SLAB_BIG)], aa_v)
    pltpu.sync_copy(dens_h.at[pl.ds(base, SLAB_BIG)], dens_v)
    pltpu.sync_copy(press_h.at[pl.ds(base, SLAB_BIG)], press_v)
    pltpu.sync_copy(vx_h.at[pl.ds(base, SLAB_BIG)], vx_sv)
    pltpu.sync_copy(vy_h.at[pl.ds(base, SLAB_BIG)], vy_sv)
    iota = _iota16()
    z16 = jnp.zeros((16,), jnp.int32)

    def grp(k, carry):
        o = k * 16
        rows = o + iota
        s = [plsc.load_gather(acca, [rows, z16 + f])
             + plsc.load_gather(accb, [rows, z16 + f]) for f in range(8)]
        ar = area_v[pl.ds(o, 16)]
        r0 = rho0_v[pl.ds(o, 16)]
        aa = aa_v[pl.ds(o, 16)]
        dn = dens_v[pl.ds(o, 16)]
        pr = press_v[pl.ds(o, 16)]
        vx = vx_sv[pl.ds(o, 16)]
        vy = vy_sv[pl.ds(o, 16)]
        m = ar * r0
        fac = (-DT * DT) * aa
        fm = fac / m
        alpha = fm * (s[0] * s[0] + s[1] * s[1]) + fac * s[2]
        src = -DT * (vx * s[0] + vy * s[1] - s[3])
        tt = dn * r0
        pv = pr / (tt * tt)
        alpha_v[pl.ds(o, 16)] = alpha
        src_v[pl.ds(o, 16)] = src
        ax_v[pl.ds(o, 16)] = pv * s[4] + s[6]
        ay_v[pl.ds(o, 16)] = pv * s[5] + s[7]
        return carry

    lax.fori_loop(0, SLAB_SMALL // 16, grp, 0)

    @pl.when(w < NBIG)
    def _():
        grp(SLAB_SMALL // 16, 0)
        pltpu.sync_copy(alpha_v, alpha_h.at[pl.ds(base, SLAB_BIG)])
        pltpu.sync_copy(src_v, source_h.at[pl.ds(base, SLAB_BIG)])
        pltpu.sync_copy(ax_v, ax_h.at[pl.ds(base, SLAB_BIG)])
        pltpu.sync_copy(ay_v, ay_h.at[pl.ds(base, SLAB_BIG)])

    @pl.when(w >= NBIG)
    def _():
        pltpu.sync_copy(alpha_v.at[pl.ds(0, SLAB_SMALL)],
                        alpha_h.at[pl.ds(base, SLAB_SMALL)])
        pltpu.sync_copy(src_v.at[pl.ds(0, SLAB_SMALL)],
                        source_h.at[pl.ds(base, SLAB_SMALL)])
        pltpu.sync_copy(ax_v.at[pl.ds(0, SLAB_SMALL)],
                        ax_h.at[pl.ds(base, SLAB_SMALL)])
        pltpu.sync_copy(ay_v.at[pl.ds(0, SLAB_SMALL)],
                        ay_h.at[pl.ds(base, SLAB_SMALL)])


@functools.cache
def _finalize():
    return pl.kernel(
    _fin_body,
    out_type=(jax.ShapeDtypeStruct((N,), jnp.float32),
              jax.ShapeDtypeStruct((N,), jnp.float32),
              jax.ShapeDtypeStruct((N,), jnp.float32),
              jax.ShapeDtypeStruct((N,), jnp.float32)),
    mesh=_mesh(),
    compiler_params=pltpu.CompilerParams(needs_layout_passes=False, use_tc_tiling_on_sc=False),
    scratch_types=[
        pltpu.VMEM((SLAB_BIG, 8), jnp.float32),
        pltpu.VMEM((SLAB_BIG, 8), jnp.float32),
        pltpu.VMEM((SLAB_BIG,), jnp.float32),
        pltpu.VMEM((SLAB_BIG,), jnp.float32),
        pltpu.VMEM((SLAB_BIG,), jnp.float32),
        pltpu.VMEM((SLAB_BIG,), jnp.float32),
        pltpu.VMEM((SLAB_BIG,), jnp.float32),
        pltpu.VMEM((SLAB_BIG,), jnp.float32),
        pltpu.VMEM((SLAB_BIG,), jnp.float32),
        pltpu.VMEM((SLAB_BIG,), jnp.float32),
        pltpu.VMEM((SLAB_BIG,), jnp.float32),
        pltpu.VMEM((SLAB_BIG,), jnp.float32),
        pltpu.VMEM((SLAB_BIG,), jnp.float32),
    ],
    )


def kernel(fluidArea, fluidRestDensity, fluidActualArea, fluidDensity,
           fluidPressure2, fluidPredictedVelocity, fluidNeighbors,
           fluidRadialDistances, fluidDistances):
    pad = NP_PAD - N

    def pad1(x, val=1.0):
        return jnp.concatenate(
            [x, jnp.full((pad,) + x.shape[1:], val, x.dtype)], axis=0)

    area_p = pad1(fluidArea)
    rho0_p = pad1(fluidRestDensity)
    aa_p = pad1(fluidActualArea)
    dens_p = pad1(fluidDensity)
    press_p = pad1(fluidPressure2)
    velt_p = jnp.pad(fluidPredictedVelocity.T, ((0, 0), (0, NV_PAD - N)))
    vx2, vy2 = _tc_vel()(velt_p)
    vx_flat = vx2.reshape(NV_PAD)
    vy_flat = vy2.reshape(NV_PAD)
    q2 = fluidRadialDistances.reshape(E // 128, 128)
    i2, j2, gx2, gy2 = _tc_prep()(fluidNeighbors, q2, fluidDistances.T)
    i_flat = i2.reshape(E)
    j_flat = j2.reshape(E)
    gx_flat = gx2.reshape(E)
    gy_flat = gy2.reshape(E)
    zeros_h = jnp.zeros((ACC_TILE, 8), jnp.float32)

    table = _prep()(area_p, rho0_p, aa_p, dens_p, press_p, vx_flat, vy_flat)
    acc = _edges()(i_flat, j_flat, gx_flat, gy_flat, table,
                   zeros_h)
    alpha, source, ax, ay = _finalize()(acc, area_p, rho0_p, aa_p, dens_p,
                                        press_p, vx_flat, vy_flat)
    return alpha, source, jnp.stack([ax, ay], axis=1)

# --- scband reference (transcript-rebuilt; emitter-appended) ---
"""Pipeline reference for scband-dfsph-module-42382737277398 (READ-ONLY COPY).

The authoritative reference and input builder live on the scoring server;
editing this copy changes nothing except your own understanding.
"""

import jax, jax.numpy as jnp
import numpy as np

N = 100000
E = 6400000
SUPPORT = 0.05
DT = 0.002

def kernel_gradient(q, d, h):
    # Wendland C2 kernel in 2D: W(q) = 7/(pi h^2) * (1-q)^4 (1+4q), q = r/h in [0,1]
    factor = 7.0 / (np.pi * h ** 2)
    dkdq = jnp.where(q <= 1.0, factor * (-20.0 * q * (1.0 - q) ** 3), 0.0)
    return (dkdq / h)[:, None] * d

def setup_inputs(seed: int = 0):
    key = jax.random.key(seed)
    ks = jax.random.split(key, 9)
    fluidArea = jax.random.uniform(ks[0], (N,), jnp.float32) * 0.5 + 0.5
    fluidRestDensity = jax.random.uniform(ks[1], (N,), jnp.float32) * 0.5 + 0.5
    fluidActualArea = jax.random.uniform(ks[2], (N,), jnp.float32) * 0.5 + 0.5
    fluidDensity = jax.random.uniform(ks[3], (N,), jnp.float32) * 0.5 + 0.5
    fluidPressure2 = jax.random.uniform(ks[4], (N,), jnp.float32)
    fluidPredictedVelocity = jax.random.normal(ks[5], (N, 2), jnp.float32)
    fluidNeighbors = jax.random.randint(ks[6], (2, E), 0, N, jnp.int32)
    fluidRadialDistances = jax.random.uniform(ks[7], (E,), jnp.float32)
    dirs = jax.random.normal(ks[8], (E, 2), jnp.float32)
    fluidDistances = dirs / (jnp.linalg.norm(dirs, axis=1, keepdims=True) + 1e-7)
    return {
        'fluidArea': fluidArea,
        'fluidRestDensity': fluidRestDensity,
        'fluidActualArea': fluidActualArea,
        'fluidDensity': fluidDensity,
        'fluidPressure2': fluidPressure2,
        'fluidPredictedVelocity': fluidPredictedVelocity,
        'fluidNeighbors': fluidNeighbors,
        'fluidRadialDistances': fluidRadialDistances,
        'fluidDistances': fluidDistances,
    }

def reference(fluidArea, fluidRestDensity, fluidActualArea, fluidDensity, fluidPressure2,
              fluidPredictedVelocity, fluidNeighbors, fluidRadialDistances, fluidDistances):
    i = fluidNeighbors[0]
    j = fluidNeighbors[1]
    # shared kernel gradient over all edges
    grad = kernel_gradient(fluidRadialDistances, fluidDistances, SUPPORT)
    grad2 = jnp.einsum('nd,nd->n', grad, grad)
    # --- computeAlphaFluidTerm + computeAlphaFinal ---
    term1 = fluidActualArea[j][:, None] * grad
    term2 = (fluidActualArea ** 2 / (fluidArea * fluidRestDensity))[j] * grad2
    kSum1 = jax.ops.segment_sum(term1, i, num_segments=N)
    kSum2 = jax.ops.segment_sum(term2, i, num_segments=N)
    fac = -DT ** 2 * fluidActualArea
    mass = fluidArea * fluidRestDensity
    alpha = fac / mass * jnp.einsum('nd,nd->n', kSum1, kSum1) + fac * kSum2
    # --- computeSourceTermFluid ---
    facS = -DT * fluidActualArea[j]
    vij = fluidPredictedVelocity[i] - fluidPredictedVelocity[j]
    prod = jnp.einsum('nd,nd->n', vij, grad)
    source = jax.ops.segment_sum(facS * prod, i, num_segments=N)
    # --- computeFluidAcceleration ---
    facA = -(fluidArea * fluidRestDensity)[j]
    p = fluidPressure2 / (fluidDensity * fluidRestDensity) ** 2
    term = (facA * (p[i] + p[j]))[:, None] * grad
    fluidAccelTerm = jax.ops.segment_sum(term, i, num_segments=N)
    return (alpha, source, fluidAccelTerm)

if __name__ == "__main__":
    import jax
    _d = setup_inputs()
    print(jax.jit(kernel)(*tuple(_d.values())))

</pallas_src>

<mosaic_0001>
#map = affine_map<(d0, d1) -> (0, 0, 0)>
#map1 = affine_map<(d0, d1) -> (0)>
module attributes {stable_mosaic.version = 14 : i64} {
  func.func @_fin_body(%arg0: i32, %arg1: i32, %arg2: memref<2x100016x8xf32, #tpu.memory_space<hbm>>, %arg3: memref<100016xf32, #tpu.memory_space<hbm>>, %arg4: memref<100016xf32, #tpu.memory_space<hbm>>, %arg5: memref<100016xf32, #tpu.memory_space<hbm>>, %arg6: memref<100016xf32, #tpu.memory_space<hbm>>, %arg7: memref<100016xf32, #tpu.memory_space<hbm>>, %arg8: memref<102400xf32, #tpu.memory_space<hbm>>, %arg9: memref<102400xf32, #tpu.memory_space<hbm>>, %arg10: memref<100000xf32, #tpu.memory_space<hbm>>, %arg11: memref<100000xf32, #tpu.memory_space<hbm>>, %arg12: memref<100000xf32, #tpu.memory_space<hbm>>, %arg13: memref<100000xf32, #tpu.memory_space<hbm>>, %arg14: memref<3136x8xf32, #tpu.memory_space<vmem>>, %arg15: memref<3136x8xf32, #tpu.memory_space<vmem>>, %arg16: memref<3136xf32, #tpu.memory_space<vmem>>, %arg17: memref<3136xf32, #tpu.memory_space<vmem>>, %arg18: memref<3136xf32, #tpu.memory_space<vmem>>, %arg19: memref<3136xf32, #tpu.memory_space<vmem>>, %arg20: memref<3136xf32, #tpu.memory_space<vmem>>, %arg21: memref<3136xf32, #tpu.memory_space<vmem>>, %arg22: memref<3136xf32, #tpu.memory_space<vmem>>, %arg23: memref<3136xf32, #tpu.memory_space<vmem>>, %arg24: memref<3136xf32, #tpu.memory_space<vmem>>, %arg25: memref<3136xf32, #tpu.memory_space<vmem>>, %arg26: memref<3136xf32, #tpu.memory_space<vmem>>) attributes {dimension_semantics = [#tpu.dimension_semantics<core_parallel>, #tpu.dimension_semantics<subcore_parallel>], iteration_bounds = array<i64: 2, 16>, scalar_prefetch = 0 : i64, scratch_operands = 13 : i64, tpu.core_type = #tpu.core_type<sc_vector_subcore>, window_params = [{transform_indices = #map}, {transform_indices = #map1}, {transform_indices = #map1}, {transform_indices = #map1}, {transform_indices = #map1}, {transform_indices = #map1}, {transform_indices = #map1}, {transform_indices = #map1}, {transform_indices = #map1}, {transform_indices = #map1}, {transform_indices = #map1}, {transform_indices = #map1}]} {
    %mul3A = arith.constant 2 : i32
    %mul3A_0 = arith.muli %arg1, %mul3A : i32
    %add3A = arith.addi %mul3A_0, %arg0 : i32
    %lt3A = arith.constant 10 : i32
    %lt3A_1 = arith.cmpi slt, %add3A, %lt3A : i32
    %mul3A_2 = arith.constant 3136 : i32
    %mul3A_3 = arith.muli %add3A, %mul3A_2 : i32
    %sub3A = arith.constant 10 : i32
    %sub3A_4 = arith.subi %add3A, %sub3A : i32
    %mul3A_5 = arith.constant 3120 : i32
    %mul3A_6 = arith.muli %sub3A_4, %mul3A_5 : i32
    %add3A_7 = arith.constant 31360 : i32
    %add3A_8 = arith.addi %add3A_7, %mul3A_6 : i32
    %select_n3A = arith.select %lt3A_1, %mul3A_3, %add3A_8 : i32
    %run_scoped3A = arith.constant 0 : i32
    "tpu.region"() ({
      %run_scoped3A_23 = tpu.sem_alloc : memref<!tpu.dma_semaphore, #tpu.memory_space<semaphore_mem>>
      %dma_start3A = arith.constant 0 : i32
      %dma_start3A_24 = tpu.memref_slice %arg2[%run_scoped3A, %select_n3A, %dma_start3A] : memref<2x100016x8xf32, #tpu.memory_space<hbm>> -> memref<1x3136x8xf32, #tpu.memory_space<hbm>>
      %dma_start3A_25 = tpu.memref_squeeze %dma_start3A_24 : memref<1x3136x8xf32, #tpu.memory_space<hbm>> -> memref<3136x8xf32, #tpu.memory_space<hbm>>
      %dma_start3A_26 = arith.constant 0 : i32
      %dma_start3A_27 = tpu.memref_slice %arg2[%run_scoped3A, %select_n3A, %dma_start3A_26] : memref<2x100016x8xf32, #tpu.memory_space<hbm>> -> memref<1x3136x8xf32, #tpu.memory_space<hbm>>
      %dma_start3A_28 = tpu.memref_squeeze %dma_start3A_27 : memref<1x3136x8xf32, #tpu.memory_space<hbm>> -> memref<3136x8xf32, #tpu.memory_space<hbm>>
      tpu.enqueue_dma source(%dma_start3A_28 : memref<3136x8xf32, #tpu.memory_space<hbm>>) target(%arg14 : memref<3136x8xf32, #tpu.memory_space<vmem>>) target_semaphore(%run_scoped3A_23 : memref<!tpu.dma_semaphore, #tpu.memory_space<semaphore_mem>>)
      %dma_wait3A = arith.constant 0 : i32
      %dma_wait3A_29 = tpu.memref_slice %arg2[%run_scoped3A, %select_n3A, %dma_wait3A] : memref<2x100016x8xf32, #tpu.memory_space<hbm>> -> memref<1x3136x8xf32, #tpu.memory_space<hbm>>
      %dma_wait3A_30 = tpu.memref_squeeze %dma_wait3A_29 : memref<1x3136x8xf32, #tpu.memory_space<hbm>> -> memref<3136x8xf32, #tpu.memory_space<hbm>>
      %dma_wait3A_31 = arith.constant 0 : i32
      %dma_wait3A_32 = tpu.memref_slice %arg2[%run_scoped3A, %select_n3A, %dma_wait3A_31] : memref<2x100016x8xf32, #tpu.memory_space<hbm>> -> memref<1x3136x8xf32, #tpu.memory_space<hbm>>
      %dma_wait3A_33 = tpu.memref_squeeze %dma_wait3A_32 : memref<1x3136x8xf32, #tpu.memory_space<hbm>> -> memref<3136x8xf32, #tpu.memory_space<hbm>>
      tpu.wait_dma2 semaphore(%run_scoped3A_23 : memref<!tpu.dma_semaphore, #tpu.memory_space<semaphore_mem>>) src(%dma_wait3A_33 : memref<3136x8xf32, #tpu.memory_space<hbm>>) dst(%arg14 : memref<3136x8xf32, #tpu.memory_space<vmem>>)
      tpu.yield
    }) : () -> ()
    %run_scoped3A_9 = arith.constant 1 : i32
    "tpu.region"() ({
      %run_scoped3A_23 = tpu.sem_alloc : memref<!tpu.dma_semaphore, #tpu.memory_space<semaphore_mem>>
      %dma_start3A = arith.constant 0 : i32
      %dma_start3A_24 = tpu.memref_slice %arg2[%run_scoped3A_9, %select_n3A, %dma_start3A] : memref<2x100016x8xf32, #tpu.memory_space<hbm>> -> memref<1x3136x8xf32, #tpu.memory_space<hbm>>
      %dma_start3A_25 = tpu.memref_squeeze %dma_start3A_24 : memref<1x3136x8xf32, #tpu.memory_space<hbm>> -> memref<3136x8xf32, #tpu.memory_space<hbm>>
      %dma_start3A_26 = arith.constant 0 : i32
      %dma_start3A_27 = tpu.memref_slice %arg2[%run_scoped3A_9, %select_n3A, %dma_start3A_26] : memref<2x100016x8xf32, #tpu.memory_space<hbm>> -> memref<1x3136x8xf32, #tpu.memory_space<hbm>>
      %dma_start3A_28 = tpu.memref_squeeze %dma_start3A_27 : memref<1x3136x8xf32, #tpu.memory_space<hbm>> -> memref<3136x8xf32, #tpu.memory_space<hbm>>
      tpu.enqueue_dma source(%dma_start3A_28 : memref<3136x8xf32, #tpu.memory_space<hbm>>) target(%arg15 : memref<3136x8xf32, #tpu.memory_space<vmem>>) target_semaphore(%run_scoped3A_23 : memref<!tpu.dma_semaphore, #tpu.memory_space<semaphore_mem>>)
      %dma_wait3A = arith.constant 0 : i32
      %dma_wait3A_29 = tpu.memref_slice %arg2[%run_scoped3A_9, %select_n3A, %dma_wait3A] : memref<2x100016x8xf32, #tpu.memory_space<hbm>> -> memref<1x3136x8xf32, #tpu.memory_space<hbm>>
      %dma_wait3A_30 = tpu.memref_squeeze %dma_wait3A_29 : memref<1x3136x8xf32, #tpu.memory_space<hbm>> -> memref<3136x8xf32, #tpu.memory_space<hbm>>
      %dma_wait3A_31 = arith.constant 0 : i32
      %dma_wait3A_32 = tpu.memref_slice %arg2[%run_scoped3A_9, %select_n3A, %dma_wait3A_31] : memref<2x100016x8xf32, #tpu.memory_space<hbm>> -> memref<1x3136x8xf32, #tpu.memory_space<hbm>>
      %dma_wait3A_33 = tpu.memref_squeeze %dma_wait3A_32 : memref<1x3136x8xf32, #tpu.memory_space<hbm>> -> memref<3136x8xf32, #tpu.memory_space<hbm>>
      tpu.wait_dma2 semaphore(%run_scoped3A_23 : memref<!tpu.dma_semaphore, #tpu.memory_space<semaphore_mem>>) src(%dma_wait3A_33 : memref<3136x8xf32, #tpu.memory_space<hbm>>) dst(%arg15 : memref<3136x8xf32, #tpu.memory_space<vmem>>)
      tpu.yield
    }) : () -> ()
    "tpu.region"() ({
      %run_scoped3A_23 = tpu.sem_alloc : memref<!tpu.dma_semaphore, #tpu.memory_space<semaphore_mem>>
      %dma_start3A = tpu.memref_slice %arg3[%select_n3A] : memref<100016xf32, #tpu.memory_space<hbm>> -> memref<3136xf32, #tpu.memory_space<hbm>>
      %dma_start3A_24 = tpu.memref_slice %arg3[%select_n3A] : memref<100016xf32, #tpu.memory_space<hbm>> -> memref<3136xf32, #tpu.memory_space<hbm>>
      tpu.enqueue_dma source(%dma_start3A_24 : memref<3136xf32, #tpu.memory_space<hbm>>) target(%arg16 : memref<3136xf32, #tpu.memory_space<vmem>>) target_semaphore(%run_scoped3A_23 : memref<!tpu.dma_semaphore, #tpu.memory_space<semaphore_mem>>)
      %dma_wait3A = tpu.memref_slice %arg3[%select_n3A] : memref<100016xf32, #tpu.memory_space<hbm>> -> memref<3136xf32, #tpu.memory_space<hbm>>
      %dma_wait3A_25 = tpu.memref_slice %arg3[%select_n3A] : memref<100016xf32, #tpu.memory_space<hbm>> -> memref<3136xf32, #tpu.memory_space<hbm>>
      tpu.wait_dma2 semaphore(%run_scoped3A_23 : memref<!tpu.dma_semaphore, #tpu.memory_space<semaphore_mem>>) src(%dma_wait3A_25 : memref<3136xf32, #tpu.memory_space<hbm>>) dst(%arg16 : memref<3136xf32, #tpu.memory_space<vmem>>)
      tpu.yield
    }) : () -> ()
    "tpu.region"() ({
      %run_scoped3A_23 = tpu.sem_alloc : memref<!tpu.dma_semaphore, #tpu.memory_space<semaphore_mem>>
      %dma_start3A = tpu.memref_slice %arg4[%select_n3A] : memref<100016xf32, #tpu.memory_space<hbm>> -> memref<3136xf32, #tpu.memory_space<hbm>>
      %dma_start3A_24 = tpu.memref_slice %arg4[%select_n3A] : memref<100016xf32, #tpu.memory_space<hbm>> -> memref<3136xf32, #tpu.memory_space<hbm>>
      tpu.enqueue_dma source(%dma_start3A_24 : memref<3136xf32, #tpu.memory_space<hbm>>) target(%arg17 : memref<3136xf32, #tpu.memory_space<vmem>>) target_semaphore(%run_scoped3A_23 : memref<!tpu.dma_semaphore, #tpu.memory_space<semaphore_mem>>)
      %dma_wait3A = tpu.memref_slice %arg4[%select_n3A] : memref<100016xf32, #tpu.memory_space<hbm>> -> memref<3136xf32, #tpu.memory_space<hbm>>
      %dma_wait3A_25 = tpu.memref_slice %arg4[%select_n3A] : memref<100016xf32, #tpu.memory_space<hbm>> -> memref<3136xf32, #tpu.memory_space<hbm>>
      tpu.wait_dma2 semaphore(%run_scoped3A_23 : memref<!tpu.dma_semaphore, #tpu.memory_space<semaphore_mem>>) src(%dma_wait3A_25 : memref<3136xf32, #tpu.memory_space<hbm>>) dst(%arg17 : memref<3136xf32, #tpu.memory_space<vmem>>)
      tpu.yield
    }) : () -> ()
    "tpu.region"() ({
      %run_scoped3A_23 = tpu.sem_alloc : memref<!tpu.dma_semaphore, #tpu.memory_space<semaphore_mem>>
      %dma_start3A = tpu.memref_slice %arg5[%select_n3A] : memref<100016xf32, #tpu.memory_space<hbm>> -> memref<3136xf32, #tpu.memory_space<hbm>>
      %dma_start3A_24 = tpu.memref_slice %arg5[%select_n3A] : memref<100016xf32, #tpu.memory_space<hbm>> -> memref<3136xf32, #tpu.memory_space<hbm>>
      tpu.enqueue_dma source(%dma_start3A_24 : memref<3136xf32, #tpu.memory_space<hbm>>) target(%arg18 : memref<3136xf32, #tpu.memory_space<vmem>>) target_semaphore(%run_scoped3A_23 : memref<!tpu.dma_semaphore, #tpu.memory_space<semaphore_mem>>)
      %dma_wait3A = tpu.memref_slice %arg5[%select_n3A] : memref<100016xf32, #tpu.memory_space<hbm>> -> memref<3136xf32, #tpu.memory_space<hbm>>
      %dma_wait3A_25 = tpu.memref_slice %arg5[%select_n3A] : memref<100016xf32, #tpu.memory_space<hbm>> -> memref<3136xf32, #tpu.memory_space<hbm>>
      tpu.wait_dma2 semaphore(%run_scoped3A_23 : memref<!tpu.dma_semaphore, #tpu.memory_space<semaphore_mem>>) src(%dma_wait3A_25 : memref<3136xf32, #tpu.memory_space<hbm>>) dst(%arg18 : memref<3136xf32, #tpu.memory_space<vmem>>)
      tpu.yield
    }) : () -> ()
    "tpu.region"() ({
      %run_scoped3A_23 = tpu.sem_alloc : memref<!tpu.dma_semaphore, #tpu.memory_space<semaphore_mem>>
      %dma_start3A = tpu.memref_slice %arg6[%select_n3A] : memref<100016xf32, #tpu.memory_space<hbm>> -> memref<3136xf32, #tpu.memory_space<hbm>>
      %dma_start3A_24 = tpu.memref_slice %arg6[%select_n3A] : memref<100016xf32, #tpu.memory_space<hbm>> -> memref<3136xf32, #tpu.memory_space<hbm>>
      tpu.enqueue_dma source(%dma_start3A_24 : memref<3136xf32, #tpu.memory_space<hbm>>) target(%arg19 : memref<3136xf32, #tpu.memory_space<vmem>>) target_semaphore(%run_scoped3A_23 : memref<!tpu.dma_semaphore, #tpu.memory_space<semaphore_mem>>)
      %dma_wait3A = tpu.memref_slice %arg6[%select_n3A] : memref<100016xf32, #tpu.memory_space<hbm>> -> memref<3136xf32, #tpu.memory_space<hbm>>
      %dma_wait3A_25 = tpu.memref_slice %arg6[%select_n3A] : memref<100016xf32, #tpu.memory_space<hbm>> -> memref<3136xf32, #tpu.memory_space<hbm>>
      tpu.wait_dma2 semaphore(%run_scoped3A_23 : memref<!tpu.dma_semaphore, #tpu.memory_space<semaphore_mem>>) src(%dma_wait3A_25 : memref<3136xf32, #tpu.memory_space<hbm>>) dst(%arg19 : memref<3136xf32, #tpu.memory_space<vmem>>)
      tpu.yield
    }) : () -> ()
    "tpu.region"() ({
      %run_scoped3A_23 = tpu.sem_alloc : memref<!tpu.dma_semaphore, #tpu.memory_space<semaphore_mem>>
      %dma_start3A = tpu.memref_slice %arg7[%select_n3A] : memref<100016xf32, #tpu.memory_space<hbm>> -> memref<3136xf32, #tpu.memory_space<hbm>>
      %dma_start3A_24 = tpu.memref_slice %arg7[%select_n3A] : memref<100016xf32, #tpu.memory_space<hbm>> -> memref<3136xf32, #tpu.memory_space<hbm>>
      tpu.enqueue_dma source(%dma_start3A_24 : memref<3136xf32, #tpu.memory_space<hbm>>) target(%arg20 : memref<3136xf32, #tpu.memory_space<vmem>>) target_semaphore(%run_scoped3A_23 : memref<!tpu.dma_semaphore, #tpu.memory_space<semaphore_mem>>)
      %dma_wait3A = tpu.memref_slice %arg7[%select_n3A] : memref<100016xf32, #tpu.memory_space<hbm>> -> memref<3136xf32, #tpu.memory_space<hbm>>
      %dma_wait3A_25 = tpu.memref_slice %arg7[%select_n3A] : memref<100016xf32, #tpu.memory_space<hbm>> -> memref<3136xf32, #tpu.memory_space<hbm>>
      tpu.wait_dma2 semaphore(%run_scoped3A_23 : memref<!tpu.dma_semaphore, #tpu.memory_space<semaphore_mem>>) src(%dma_wait3A_25 : memref<3136xf32, #tpu.memory_space<hbm>>) dst(%arg20 : memref<3136xf32, #tpu.memory_space<vmem>>)
      tpu.yield
    }) : () -> ()
    "tpu.region"() ({
      %run_scoped3A_23 = tpu.sem_alloc : memref<!tpu.dma_semaphore, #tpu.memory_space<semaphore_mem>>
      %dma_start3A = tpu.memref_slice %arg8[%select_n3A] : memref<102400xf32, #tpu.memory_space<hbm>> -> memref<3136xf32, #tpu.memory_space<hbm>>
      %dma_start3A_24 = tpu.memref_slice %arg8[%select_n3A] : memref<102400xf32, #tpu.memory_space<hbm>> -> memref<3136xf32, #tpu.memory_space<hbm>>
      tpu.enqueue_dma source(%dma_start3A_24 : memref<3136xf32, #tpu.memory_space<hbm>>) target(%arg21 : memref<3136xf32, #tpu.memory_space<vmem>>) target_semaphore(%run_scoped3A_23 : memref<!tpu.dma_semaphore, #tpu.memory_space<semaphore_mem>>)
      %dma_wait3A = tpu.memref_slice %arg8[%select_n3A] : memref<102400xf32, #tpu.memory_space<hbm>> -> memref<3136xf32, #tpu.memory_space<hbm>>
      %dma_wait3A_25 = tpu.memref_slice %arg8[%select_n3A] : memref<102400xf32, #tpu.memory_space<hbm>> -> memref<3136xf32, #tpu.memory_space<hbm>>
      tpu.wait_dma2 semaphore(%run_scoped3A_23 : memref<!tpu.dma_semaphore, #tpu.memory_space<semaphore_mem>>) src(%dma_wait3A_25 : memref<3136xf32, #tpu.memory_space<hbm>>) dst(%arg21 : memref<3136xf32, #tpu.memory_space<vmem>>)
      tpu.yield
    }) : () -> ()
    "tpu.region"() ({
      %run_scoped3A_23 = tpu.sem_alloc : memref<!tpu.dma_semaphore, #tpu.memory_space<semaphore_mem>>
      %dma_start3A = tpu.memref_slice %arg9[%select_n3A] : memref<102400xf32, #tpu.memory_space<hbm>> -> memref<3136xf32, #tpu.memory_space<hbm>>
      %dma_start3A_24 = tpu.memref_slice %arg9[%select_n3A] : memref<102400xf32, #tpu.memory_space<hbm>> -> memref<3136xf32, #tpu.memory_space<hbm>>
      tpu.enqueue_dma source(%dma_start3A_24 : memref<3136xf32, #tpu.memory_space<hbm>>) target(%arg22 : memref<3136xf32, #tpu.memory_space<vmem>>) target_semaphore(%run_scoped3A_23 : memref<!tpu.dma_semaphore, #tpu.memory_space<semaphore_mem>>)
      %dma_wait3A = tpu.memref_slice %arg9[%select_n3A] : memref<102400xf32, #tpu.memory_space<hbm>> -> memref<3136xf32, #tpu.memory_space<hbm>>
      %dma_wait3A_25 = tpu.memref_slice %arg9[%select_n3A] : memref<102400xf32, #tpu.memory_space<hbm>> -> memref<3136xf32, #tpu.memory_space<hbm>>
      tpu.wait_dma2 semaphore(%run_scoped3A_23 : memref<!tpu.dma_semaphore, #tpu.memory_space<semaphore_mem>>) src(%dma_wait3A_25 : memref<3136xf32, #tpu.memory_space<hbm>>) dst(%arg22 : memref<3136xf32, #tpu.memory_space<vmem>>)
      tpu.yield
    }) : () -> ()
    %iota3A = tpu.iota {dimensions = array<i32: 0>} : vector<16xi32>
    %broadcast_in_dim3A = arith.constant 0 : i32
    %broadcast_in_dim3A_10 = vector.broadcast %broadcast_in_dim3A : i32 to vector<16xi32>
    %scan3A = arith.constant 0 : i32
    %scan3A_11 = arith.constant 0 : i32
    %scan3A_12 = arith.constant 195 : i32
    %scan3A_13 = arith.addi %scan3A_11, %scan3A_12 : i32
    %scan3A_14 = arith.constant 1 : i32
    scf.for %scan3A_23 = %scan3A_11 to %scan3A_13 step %scan3A_14  : i32 {
      %mul3A_24 = arith.constant 16 : i32
      %mul3A_25 = arith.muli %scan3A_23, %mul3A_24 : i32
      %add3A_26 = vector.broadcast %mul3A_25 : i32 to vector<16xi32>
      %add3A_27 = arith.addi %add3A_26, %iota3A : vector<16xi32>
      %add3A_28 = arith.constant 0 : i32
      %add3A_29 = vector.broadcast %add3A_28 : i32 to vector<16xi32>
      %add3A_30 = arith.addi %broadcast_in_dim3A_10, %add3A_29 : vector<16xi32>
      %gather3A = tpu.vector_load_idx %arg14[%add3A_27, %add3A_30] : memref<3136x8xf32, #tpu.memory_space<vmem>>[vector<16xi32>, vector<16xi32>], vector<16xf32>,
      %add3A_31 = arith.constant 0 : i32
      %add3A_32 = vector.broadcast %add3A_31 : i32 to vector<16xi32>
      %add3A_33 = arith.addi %broadcast_in_dim3A_10, %add3A_32 : vector<16xi32>
      %gather3A_34 = tpu.vector_load_idx %arg15[%add3A_27, %add3A_33] : memref<3136x8xf32, #tpu.memory_space<vmem>>[vector<16xi32>, vector<16xi32>], vector<16xf32>,
      %add3A_35 = arith.addf %gather3A, %gather3A_34 : vector<16xf32>
      %add3A_36 = arith.constant 1 : i32
      %add3A_37 = vector.broadcast %add3A_36 : i32 to vector<16xi32>
      %add3A_38 = arith.addi %broadcast_in_dim3A_10, %add3A_37 : vector<16xi32>
      %gather3A_39 = tpu.vector_load_idx %arg14[%add3A_27, %add3A_38] : memref<3136x8xf32, #tpu.memory_space<vmem>>[vector<16xi32>, vector<16xi32>], vector<16xf32>,
      %add3A_40 = arith.constant 1 : i32
      %add3A_41 = vector.broadcast %add3A_40 : i32 to vector<16xi32>
      %add3A_42 = arith.addi %broadcast_in_dim3A_10, %add3A_41 : vector<16xi32>
      %gather3A_43 = tpu.vector_load_idx %arg15[%add3A_27, %add3A_42] : memref<3136x8xf32, #tpu.memory_space<vmem>>[vector<16xi32>, vector<16xi32>], vector<16xf32>,
      %add3A_44 = arith.addf %gather3A_39, %gather3A_43 : vector<16xf32>
      %add3A_45 = arith.constant 2 : i32
      %add3A_46 = vector.broadcast %add3A_45 : i32 to vector<16xi32>
      %add3A_47 = arith.addi %broadcast_in_dim3A_10, %add3A_46 : vector<16xi32>
      %gather3A_48 = tpu.vector_load_idx %arg14[%add3A_27, %add3A_47] : memref<3136x8xf32, #tpu.memory_space<vmem>>[vector<16xi32>, vector<16xi32>], vector<16xf32>,
      %add3A_49 = arith.constant 2 : i32
      %add3A_50 = vector.broadcast %add3A_49 : i32 to vector<16xi32>
      %add3A_51 = arith.addi %broadcast_in_dim3A_10, %add3A_50 : vector<16xi32>
      %gather3A_52 = tpu.vector_load_idx %arg15[%add3A_27, %add3A_51] : memref<3136x8xf32, #tpu.memory_space<vmem>>[vector<16xi32>, vector<16xi32>], vector<16xf32>,
      %add3A_53 = arith.addf %gather3A_48, %gather3A_52 : vector<16xf32>
      %add3A_54 = arith.constant 3 : i32
      %add3A_55 = vector.broadcast %add3A_54 : i32 to vector<16xi32>
      %add3A_56 = arith.addi %broadcast_in_dim3A_10, %add3A_55 : vector<16xi32>
      %gather3A_57 = tpu.vector_load_idx %arg14[%add3A_27, %add3A_56] : memref<3136x8xf32, #tpu.memory_space<vmem>>[vector<16xi32>, vector<16xi32>], vector<16xf32>,
      %add3A_58 = arith.constant 3 : i32
      %add3A_59 = vector.broadcast %add3A_58 : i32 to vector<16xi32>
      %add3A_60 = arith.addi %broadcast_in_dim3A_10, %add3A_59 : vector<16xi32>
      %gather3A_61 = tpu.vector_load_idx %arg15[%add3A_27, %add3A_60] : memref<3136x8xf32, #tpu.memory_space<vmem>>[vector<16xi32>, vector<16xi32>], vector<16xf32>,
      %add3A_62 = arith.addf %gather3A_57, %gather3A_61 : vector<16xf32>
      %add3A_63 = arith.constant 4 : i32
      %add3A_64 = vector.broadcast %add3A_63 : i32 to vector<16xi32>
      %add3A_65 = arith.addi %broadcast_in_dim3A_10, %add3A_64 : vector<16xi32>
      %gather3A_66 = tpu.vector_load_idx %arg14[%add3A_27, %add3A_65] : memref<3136x8xf32, #tpu.memory_space<vmem>>[vector<16xi32>, vector<16xi32>], vector<16xf32>,
      %add3A_67 = arith.constant 4 : i32
      %add3A_68 = vector.broadcast %add3A_67 : i32 to vector<16xi32>
      %add3A_69 = arith.addi %broadcast_in_dim3A_10, %add3A_68 : vector<16xi32>
      %gather3A_70 = tpu.vector_load_idx %arg15[%add3A_27, %add3A_69] : memref<3136x8xf32, #tpu.memory_space<vmem>>[vector<16xi32>, vector<16xi32>], vector<16xf32>,
      %add3A_71 = arith.addf %gather3A_66, %gather3A_70 : vector<16xf32>
      %add3A_72 = arith.constant 5 : i32
      %add3A_73 = vector.broadcast %add3A_72 : i32 to vector<16xi32>
      %add3A_74 = arith.addi %broadcast_in_dim3A_10, %add3A_73 : vector<16xi32>
      %gather3A_75 = tpu.vector_load_idx %arg14[%add3A_27, %add3A_74] : memref<3136x8xf32, #tpu.memory_space<vmem>>[vector<16xi32>, vector<16xi32>], vector<16xf32>,
      %add3A_76 = arith.constant 5 : i32
      %add3A_77 = vector.broadcast %add3A_76 : i32 to vector<16xi32>
      %add3A_78 = arith.addi %broadcast_in_dim3A_10, %add3A_77 : vector<16xi32>
      %gather3A_79 = tpu.vector_load_idx %arg15[%add3A_27, %add3A_78] : memref<3136x8xf32, #tpu.memory_space<vmem>>[vector<16xi32>, vector<16xi32>], vector<16xf32>,
      %add3A_80 = arith.addf %gather3A_75, %gather3A_79 : vector<16xf32>
      %add3A_81 = arith.constant 6 : i32
      %add3A_82 = vector.broadcast %add3A_81 : i32 to vector<16xi32>
      %add3A_83 = arith.addi %broadcast_in_dim3A_10, %add3A_82 : vector<16xi32>
      %gather3A_84 = tpu.vector_load_idx %arg14[%add3A_27, %add3A_83] : memref<3136x8xf32, #tpu.memory_space<vmem>>[vector<16xi32>, vector<16xi32>], vector<16xf32>,
      %add3A_85 = arith.constant 6 : i32
      %add3A_86 = vector.broadcast %add3A_85 : i32 to vector<16xi32>
      %add3A_87 = arith.addi %broadcast_in_dim3A_10, %add3A_86 : vector<16xi32>
      %gather3A_88 = tpu.vector_load_idx %arg15[%add3A_27, %add3A_87] : memref<3136x8xf32, #tpu.memory_space<vmem>>[vector<16xi32>, vector<16xi32>], vector<16xf32>,
      %add3A_89 = arith.addf %gather3A_84, %gather3A_88 : vector<16xf32>
      %add3A_90 = arith.constant 7 : i32
      %add3A_91 = vector.broadcast %add3A_90 : i32 to vector<16xi32>
      %add3A_92 = arith.addi %broadcast_in_dim3A_10, %add3A_91 : vector<16xi32>
      %gather3A_93 = tpu.vector_load_idx %arg14[%add3A_27, %add3A_92] : memref<3136x8xf32, #tpu.memory_space<vmem>>[vector<16xi32>, vector<16xi32>], vector<16xf32>,
      %add3A_94 = arith.constant 7 : i32
      %add3A_95 = vector.broadcast %add3A_94 : i32 to vector<16xi32>
      %add3A_96 = arith.addi %broadcast_in_dim3A_10, %add3A_95 : vector<16xi32>
      %gather3A_97 = tpu.vector_load_idx %arg15[%add3A_27, %add3A_96] : memref<3136x8xf32, #tpu.memory_space<vmem>>[vector<16xi32>, vector<16xi32>], vector<16xf32>,
      %add3A_98 = arith.addf %gather3A_93, %gather3A_97 : vector<16xf32>
      %get3A = arith.index_cast %mul3A_25 : i32 to index
      %get3A_99 = tpu.vector_load %arg16[%get3A] {strides = array<i32>} : memref<3136xf32, #tpu.memory_space<vmem>>, vector<16xf32>,
      %get3A_100 = arith.index_cast %mul3A_25 : i32 to index
      %get3A_101 = tpu.vector_load %arg17[%get3A_100] {strides = array<i32>} : memref<3136xf32, #tpu.memory_space<vmem>>, vector<16xf32>,
      %get3A_102 = arith.index_cast %mul3A_25 : i32 to index
      %get3A_103 = tpu.vector_load %arg18[%get3A_102] {strides = array<i32>} : memref<3136xf32, #tpu.memory_space<vmem>>, vector<16xf32>,
      %get3A_104 = arith.index_cast %mul3A_25 : i32 to index
      %get3A_105 = tpu.vector_load %arg19[%get3A_104] {strides = array<i32>} : memref<3136xf32, #tpu.memory_space<vmem>>, vector<16xf32>,
      %get3A_106 = arith.index_cast %mul3A_25 : i32 to index
      %get3A_107 = tpu.vector_load %arg20[%get3A_106] {strides = array<i32>} : memref<3136xf32, #tpu.memory_space<vmem>>, vector<16xf32>,
      %get3A_108 = arith.index_cast %mul3A_25 : i32 to index
      %get3A_109 = tpu.vector_load %arg21[%get3A_108] {strides = array<i32>} : memref<3136xf32, #tpu.memory_space<vmem>>, vector<16xf32>,
      %get3A_110 = arith.index_cast %mul3A_25 : i32 to index
      %get3A_111 = tpu.vector_load %arg22[%get3A_110] {strides = array<i32>} : memref<3136xf32, #tpu.memory_space<vmem>>, vector<16xf32>,
      %mul3A_112 = arith.mulf %get3A_99, %get3A_101 : vector<16xf32>
      %mul3A_113 = arith.constant -4.000000e-06 : f32
      %mul3A_114 = vector.broadcast %mul3A_113 : f32 to vector<16xf32>
      %mul3A_115 = arith.mulf %mul3A_114, %get3A_103 : vector<16xf32>
      %div3A = arith.divf %mul3A_115, %mul3A_112 : vector<16xf32>
      %mul3A_116 = arith.mulf %add3A_35, %add3A_35 : vector<16xf32>
      %mul3A_117 = arith.mulf %add3A_44, %add3A_44 : vector<16xf32>
      %add3A_118 = arith.addf %mul3A_116, %mul3A_117 : vector<16xf32>
      %mul3A_119 = arith.mulf %div3A, %add3A_118 : vector<16xf32>
      %mul3A_120 = arith.mulf %mul3A_115, %add3A_53 : vector<16xf32>
      %add3A_121 = arith.addf %mul3A_119, %mul3A_120 : vector<16xf32>
      %mul3A_122 = arith.mulf %get3A_109, %add3A_35 : vector<16xf32>
      %mul3A_123 = arith.mulf %get3A_111, %add3A_44 : vector<16xf32>
      %add3A_124 = arith.addf %mul3A_122, %mul3A_123 : vector<16xf32>
      %sub3A_125 = arith.subf %add3A_124, %add3A_62 : vector<16xf32>
      %mul3A_126 = arith.constant -2.000000e-03 : f32
      %mul3A_127 = vector.broadcast %mul3A_126 : f32 to vector<16xf32>
      %mul3A_128 = arith.mulf %mul3A_127, %sub3A_125 : vector<16xf32>
      %mul3A_129 = arith.mulf %get3A_105, %get3A_101 : vector<16xf32>
      %mul3A_130 = arith.mulf %mul3A_129, %mul3A_129 : vector<16xf32>
      %div3A_131 = arith.divf %get3A_107, %mul3A_130 : vector<16xf32>
      %swap3A = arith.index_cast %mul3A_25 : i32 to index
      %swap3A_132 = tpu.vector_load %arg23[%swap3A] {strides = array<i32>} : memref<3136xf32, #tpu.memory_space<vmem>>, vector<16xf32>,
      tpu.vector_store %arg23[%swap3A], %add3A_121 {strides = array<i32>} : memref<3136xf32, #tpu.memory_space<vmem>>, vector<16xf32>,
      %swap3A_133 = arith.index_cast %mul3A_25 : i32 to index
      %swap3A_134 = tpu.vector_load %arg24[%swap3A_133] {strides = array<i32>} : memref<3136xf32, #tpu.memory_space<vmem>>, vector<16xf32>,
      tpu.vector_store %arg24[%swap3A_133], %mul3A_128 {strides = array<i32>} : memref<3136xf32, #tpu.memory_space<vmem>>, vector<16xf32>,
      %mul3A_135 = arith.mulf %div3A_131, %add3A_71 : vector<16xf32>
      %add3A_136 = arith.addf %mul3A_135, %add3A_89 : vector<16xf32>
      %swap3A_137 = arith.index_cast %mul3A_25 : i32 to index
      %swap3A_138 = tpu.vector_load %arg25[%swap3A_137] {strides = array<i32>} : memref<3136xf32, #tpu.memory_space<vmem>>, vector<16xf32>,
      tpu.vector_store %arg25[%swap3A_137], %add3A_136 {strides = array<i32>} : memref<3136xf32, #tpu.memory_space<vmem>>, vector<16xf32>,
      %mul3A_139 = arith.mulf %div3A_131, %add3A_80 : vector<16xf32>
      %add3A_140 = arith.addf %mul3A_139, %add3A_98 : vector<16xf32>
      %swap3A_141 = arith.index_cast %mul3A_25 : i32 to index
      %swap3A_142 = tpu.vector_load %arg26[%swap3A_141] {strides = array<i32>} : memref<3136xf32, #tpu.memory_space<vmem>>, vector<16xf32>,
      tpu.vector_store %arg26[%swap3A_141], %add3A_140 {strides = array<i32>} : memref<3136xf32, #tpu.memory_space<vmem>>, vector<16xf32>,
    }
    %scan3A_15 = arith.constant 195 : i32
    %lt3A_16 = arith.constant 10 : i32
    %lt3A_17 = arith.cmpi slt, %add3A, %lt3A_16 : i32
    %convert_element_type3A = arith.extui %lt3A_17 : i1 to i32
    %cond3A = arith.constant 0 : i32
    %cond3A_18 = arith.cmpi ne, %convert_element_type3A, %cond3A : i32
    scf.if %cond3A_18 {
      %add3A_23 = arith.constant 3120 : i32
      %add3A_24 = vector.broadcast %add3A_23 : i32 to vector<16xi32>
      %add3A_25 = arith.addi %add3A_24, %iota3A : vector<16xi32>
      %add3A_26 = arith.constant 0 : i32
      %add3A_27 = vector.broadcast %add3A_26 : i32 to vector<16xi32>
      %add3A_28 = arith.addi %broadcast_in_dim3A_10, %add3A_27 : vector<16xi32>
      %gather3A = tpu.vector_load_idx %arg14[%add3A_25, %add3A_28] : memref<3136x8xf32, #tpu.memory_space<vmem>>[vector<16xi32>, vector<16xi32>], vector<16xf32>,
      %add3A_29 = arith.constant 0 : i32
      %add3A_30 = vector.broadcast %add3A_29 : i32 to vector<16xi32>
      %add3A_31 = arith.addi %broadcast_in_dim3A_10, %add3A_30 : vector<16xi32>
      %gather3A_32 = tpu.vector_load_idx %arg15[%add3A_25, %add3A_31] : memref<3136x8xf32, #tpu.memory_space<vmem>>[vector<16xi32>, vector<16xi32>], vector<16xf32>,
      %add3A_33 = arith.addf %gather3A, %gather3A_32 : vector<16xf32>
      %add3A_34 = arith.constant 1 : i32
      %add3A_35 = vector.broadcast %add3A_34 : i32 to vector<16xi32>
      %add3A_36 = arith.addi %broadcast_in_dim3A_10, %add3A_35 : vector<16xi32>
      %gather3A_37 = tpu.vector_load_idx %arg14[%add3A_25, %add3A_36] : memref<3136x8xf32, #tpu.memory_space<vmem>>[vector<16xi32>, vector<16xi32>], vector<16xf32>,
      %add3A_38 = arith.constant 1 : i32
      %add3A_39 = vector.broadcast %add3A_38 : i32 to vector<16xi32>
      %add3A_40 = arith.addi %broadcast_in_dim3A_10, %add3A_39 : vector<16xi32>
      %gather3A_41 = tpu.vector_load_idx %arg15[%add3A_25, %add3A_40] : memref<3136x8xf32, #tpu.memory_space<vmem>>[vector<16xi32>, vector<16xi32>], vector<16xf32>,
      %add3A_42 = arith.addf %gather3A_37, %gather3A_41 : vector<16xf32>
      %add3A_43 = arith.constant 2 : i32
      %add3A_44 = vector.broadcast %add3A_43 : i32 to vector<16xi32>
      %add3A_45 = arith.addi %broadcast_in_dim3A_10, %add3A_44 : vector<16xi32>
      %gather3A_46 = tpu.vector_load_idx %arg14[%add3A_25, %add3A_45] : memref<3136x8xf32, #tpu.memory_space<vmem>>[vector<16xi32>, vector<16xi32>], vector<16xf32>,
      %add3A_47 = arith.constant 2 : i32
      %add3A_48 = vector.broadcast %add3A_47 : i32 to vector<16xi32>
      %add3A_49 = arith.addi %broadcast_in_dim3A_10, %add3A_48 : vector<16xi32>
      %gather3A_50 = tpu.vector_load_idx %arg15[%add3A_25, %add3A_49] : memref<3136x8xf32, #tpu.memory_space<vmem>>[vector<16xi32>, vector<16xi32>], vector<16xf32>,
      %add3A_51 = arith.addf %gather3A_46, %gather3A_50 : vector<16xf32>
      %add3A_52 = arith.constant 3 : i32
      %add3A_53 = vector.broadcast %add3A_52 : i32 to vector<16xi32>
      %add3A_54 = arith.addi %broadcast_in_dim3A_10, %add3A_53 : vector<16xi32>
      %gather3A_55 = tpu.vector_load_idx %arg14[%add3A_25, %add3A_54] : memref<3136x8xf32, #tpu.memory_space<vmem>>[vector<16xi32>, vector<16xi32>], vector<16xf32>,
      %add3A_56 = arith.constant 3 : i32
      %add3A_57 = vector.broadcast %add3A_56 : i32 to vector<16xi32>
      %add3A_58 = arith.addi %broadcast_in_dim3A_10, %add3A_57 : vector<16xi32>
      %gather3A_59 = tpu.vector_load_idx %arg15[%add3A_25, %add3A_58] : memref<3136x8xf32, #tpu.memory_space<vmem>>[vector<16xi32>, vector<16xi32>], vector<16xf32>,
      %add3A_60 = arith.addf %gather3A_55, %gather3A_59 : vector<16xf32>
      %add3A_61 = arith.constant 4 : i32
      %add3A_62 = vector.broadcast %add3A_61 : i32 to vector<16xi32>
      %add3A_63 = arith.addi %broadcast_in_dim3A_10, %add3A_62 : vector<16xi32>
      %gather3A_64 = tpu.vector_load_idx %arg14[%add3A_25, %add3A_63] : memref<3136x8xf32, #tpu.memory_space<vmem>>[vector<16xi32>, vector<16xi32>], vector<16xf32>,
      %add3A_65 = arith.constant 4 : i32
      %add3A_66 = vector.broadcast %add3A_65 : i32 to vector<16xi32>
      %add3A_67 = arith.addi %broadcast_in_dim3A_10, %add3A_66 : vector<16xi32>
      %gather3A_68 = tpu.vector_load_idx %arg15[%add3A_25, %add3A_67] : memref<3136x8xf32, #tpu.memory_space<vmem>>[vector<16xi32>, vector<16xi32>], vector<16xf32>,
      %add3A_69 = arith.addf %gather3A_64, %gather3A_68 : vector<16xf32>
      %add3A_70 = arith.constant 5 : i32
      %add3A_71 = vector.broadcast %add3A_70 : i32 to vector<16xi32>
      %add3A_72 = arith.addi %broadcast_in_dim3A_10, %add3A_71 : vector<16xi32>
      %gather3A_73 = tpu.vector_load_idx %arg14[%add3A_25, %add3A_72] : memref<3136x8xf32, #tpu.memory_space<vmem>>[vector<16xi32>, vector<16xi32>], vector<16xf32>,
      %add3A_74 = arith.constant 5 : i32
      %add3A_75 = vector.broadcast %add3A_74 : i32 to vector<16xi32>
      %add3A_76 = arith.addi %broadcast_in_dim3A_10, %add3A_75 : vector<16xi32>
      %gather3A_77 = tpu.vector_load_idx %arg15[%add3A_25, %add3A_76] : memref<3136x8xf32, #tpu.memory_space<vmem>>[vector<16xi32>, vector<16xi32>], vector<16xf32>,
      %add3A_78 = arith.addf %gather3A_73, %gather3A_77 : vector<16xf32>
      %add3A_79 = arith.constant 6 : i32
      %add3A_80 = vector.broadcast %add3A_79 : i32 to vector<16xi32>
      %add3A_81 = arith.addi %broadcast_in_dim3A_10, %add3A_80 : vector<16xi32>
      %gather3A_82 = tpu.vector_load_idx %arg14[%add3A_25, %add3A_81] : memref<3136x8xf32, #tpu.memory_space<vmem>>[vector<16xi32>, vector<16xi32>], vector<16xf32>,
      %add3A_83 = arith.constant 6 : i32
      %add3A_84 = vector.broadcast %add3A_83 : i32 to vector<16xi32>
      %add3A_85 = arith.addi %broadcast_in_dim3A_10, %add3A_84 : vector<16xi32>
      %gather3A_86 = tpu.vector_load_idx %arg15[%add3A_25, %add3A_85] : memref<3136x8xf32, #tpu.memory_space<vmem>>[vector<16xi32>, vector<16xi32>], vector<16xf32>,
      %add3A_87 = arith.addf %gather3A_82, %gather3A_86 : vector<16xf32>
      %add3A_88 = arith.constant 7 : i32
      %add3A_89 = vector.broadcast %add3A_88 : i32 to vector<16xi32>
      %add3A_90 = arith.addi %broadcast_in_dim3A_10, %add3A_89 : vector<16xi32>
      %gather3A_91 = tpu.vector_load_idx %arg14[%add3A_25, %add3A_90] : memref<3136x8xf32, #tpu.memory_space<vmem>>[vector<16xi32>, vector<16xi32>], vector<16xf32>,
      %add3A_92 = arith.constant 7 : i32
      %add3A_93 = vector.broadcast %add3A_92 : i32 to vector<16xi32>
      %add3A_94 = arith.addi %broadcast_in_dim3A_10, %add3A_93 : vector<16xi32>
      %gather3A_95 = tpu.vector_load_idx %arg15[%add3A_25, %add3A_94] : memref<3136x8xf32, #tpu.memory_space<vmem>>[vector<16xi32>, vector<16xi32>], vector<16xf32>,
      %add3A_96 = arith.addf %gather3A_91, %gather3A_95 : vector<16xf32>
      %get3A = arith.constant 3120 : index
      %get3A_97 = tpu.vector_load %arg16[%get3A] {strides = array<i32>} : memref<3136xf32, #tpu.memory_space<vmem>>, vector<16xf32>,
      %get3A_98 = arith.constant 3120 : index
      %get3A_99 = tpu.vector_load %arg17[%get3A_98] {strides = array<i32>} : memref<3136xf32, #tpu.memory_space<vmem>>, vector<16xf32>,
      %get3A_100 = arith.constant 3120 : index
      %get3A_101 = tpu.vector_load %arg18[%get3A_100] {strides = array<i32>} : memref<3136xf32, #tpu.memory_space<vmem>>, vector<16xf32>,
      %get3A_102 = arith.constant 3120 : index
      %get3A_103 = tpu.vector_load %arg19[%get3A_102] {strides = array<i32>} : memref<3136xf32, #tpu.memory_space<vmem>>, vector<16xf32>,
      %get3A_104 = arith.constant 3120 : index
      %get3A_105 = tpu.vector_load %arg20[%get3A_104] {strides = array<i32>} : memref<3136xf32, #tpu.memory_space<vmem>>, vector<16xf32>,
      %get3A_106 = arith.constant 3120 : index
      %get3A_107 = tpu.vector_load %arg21[%get3A_106] {strides = array<i32>} : memref<3136xf32, #tpu.memory_space<vmem>>, vector<16xf32>,
      %get3A_108 = arith.constant 3120 : index
      %get3A_109 = tpu.vector_load %arg22[%get3A_108] {strides = array<i32>} : memref<3136xf32, #tpu.memory_space<vmem>>, vector<16xf32>,
      %mul3A_110 = arith.mulf %get3A_97, %get3A_99 : vector<16xf32>
      %mul3A_111 = arith.constant -4.000000e-06 : f32
      %mul3A_112 = vector.broadcast %mul3A_111 : f32 to vector<16xf32>
      %mul3A_113 = arith.mulf %mul3A_112, %get3A_101 : vector<16xf32>
      %div3A = arith.divf %mul3A_113, %mul3A_110 : vector<16xf32>
      %mul3A_114 = arith.mulf %add3A_33, %add3A_33 : vector<16xf32>
      %mul3A_115 = arith.mulf %add3A_42, %add3A_42 : vector<16xf32>
      %add3A_116 = arith.addf %mul3A_114, %mul3A_115 : vector<16xf32>
      %mul3A_117 = arith.mulf %div3A, %add3A_116 : vector<16xf32>
      %mul3A_118 = arith.mulf %mul3A_113, %add3A_51 : vector<16xf32>
      %add3A_119 = arith.addf %mul3A_117, %mul3A_118 : vector<16xf32>
      %mul3A_120 = arith.mulf %get3A_107, %add3A_33 : vector<16xf32>
      %mul3A_121 = arith.mulf %get3A_109, %add3A_42 : vector<16xf32>
      %add3A_122 = arith.addf %mul3A_120, %mul3A_121 : vector<16xf32>
      %sub3A_123 = arith.subf %add3A_122, %add3A_60 : vector<16xf32>
      %mul3A_124 = arith.constant -2.000000e-03 : f32
      %mul3A_125 = vector.broadcast %mul3A_124 : f32 to vector<16xf32>
      %mul3A_126 = arith.mulf %mul3A_125, %sub3A_123 : vector<16xf32>
      %mul3A_127 = arith.mulf %get3A_103, %get3A_99 : vector<16xf32>
      %mul3A_128 = arith.mulf %mul3A_127, %mul3A_127 : vector<16xf32>
      %div3A_129 = arith.divf %get3A_105, %mul3A_128 : vector<16xf32>
      %swap3A = arith.constant 3120 : index
      %swap3A_130 = tpu.vector_load %arg23[%swap3A] {strides = array<i32>} : memref<3136xf32, #tpu.memory_space<vmem>>, vector<16xf32>,
      tpu.vector_store %arg23[%swap3A], %add3A_119 {strides = array<i32>} : memref<3136xf32, #tpu.memory_space<vmem>>, vector<16xf32>,
      %swap3A_131 = arith.constant 3120 : index
      %swap3A_132 = tpu.vector_load %arg24[%swap3A_131] {strides = array<i32>} : memref<3136xf32, #tpu.memory_space<vmem>>, vector<16xf32>,
      tpu.vector_store %arg24[%swap3A_131], %mul3A_126 {strides = array<i32>} : memref<3136xf32, #tpu.memory_space<vmem>>, vector<16xf32>,
      %mul3A_133 = arith.mulf %div3A_129, %add3A_69 : vector<16xf32>
      %add3A_134 = arith.addf %mul3A_133, %add3A_87 : vector<16xf32>
      %swap3A_135 = arith.constant 3120 : index
      %swap3A_136 = tpu.vector_load %arg25[%swap3A_135] {strides = array<i32>} : memref<3136xf32, #tpu.memory_space<vmem>>, vector<16xf32>,
      tpu.vector_store %arg25[%swap3A_135], %add3A_134 {strides = array<i32>} : memref<3136xf32, #tpu.memory_space<vmem>>, vector<16xf32>,
      %mul3A_137 = arith.mulf %div3A_129, %add3A_78 : vector<16xf32>
      %add3A_138 = arith.addf %mul3A_137, %add3A_96 : vector<16xf32>
      %swap3A_139 = arith.constant 3120 : index
      %swap3A_140 = tpu.vector_load %arg26[%swap3A_139] {strides = array<i32>} : memref<3136xf32, #tpu.memory_space<vmem>>, vector<16xf32>,
      tpu.vector_store %arg26[%swap3A_139], %add3A_138 {strides = array<i32>} : memref<3136xf32, #tpu.memory_space<vmem>>, vector<16xf32>,
      "tpu.region"() ({
        %run_scoped3A_141 = tpu.sem_alloc : memref<!tpu.dma_semaphore, #tpu.memory_space<semaphore_mem>>
        %dma_start3A = tpu.memref_slice %arg10[%select_n3A] : memref<100000xf32, #tpu.memory_space<hbm>> -> memref<3136xf32, #tpu.memory_space<hbm>>
        %dma_start3A_142 = tpu.memref_slice %arg10[%select_n3A] : memref<100000xf32, #tpu.memory_space<hbm>> -> memref<3136xf32, #tpu.memory_space<hbm>>
        tpu.enqueue_dma source(%arg23 : memref<3136xf32, #tpu.memory_space<vmem>>) target(%dma_start3A_142 : memref<3136xf32, #tpu.memory_space<hbm>>) target_semaphore(%run_scoped3A_141 : memref<!tpu.dma_semaphore, #tpu.memory_space<semaphore_mem>>)
        %dma_wait3A = tpu.memref_slice %arg10[%select_n3A] : memref<100000xf32, #tpu.memory_space<hbm>> -> memref<3136xf32, #tpu.memory_space<hbm>>
        %dma_wait3A_143 = tpu.memref_slice %arg10[%select_n3A] : memref<100000xf32, #tpu.memory_space<hbm>> -> memref<3136xf32, #tpu.memory_space<hbm>>
        tpu.wait_dma2 semaphore(%run_scoped3A_141 : memref<!tpu.dma_semaphore, #tpu.memory_space<semaphore_mem>>) src(%arg23 : memref<3136xf32, #tpu.memory_space<vmem>>) dst(%dma_wait3A_143 : memref<3136xf32, #tpu.memory_space<hbm>>)
        tpu.yield
      }) : () -> ()
      "tpu.region"() ({
        %run_scoped3A_141 = tpu.sem_alloc : memref<!tpu.dma_semaphore, #tpu.memory_space<semaphore_mem>>
        %dma_start3A = tpu.memref_slice %arg11[%select_n3A] : memref<100000xf32, #tpu.memory_space<hbm>> -> memref<3136xf32, #tpu.memory_space<hbm>>
        %dma_start3A_142 = tpu.memref_slice %arg11[%select_n3A] : memref<100000xf32, #tpu.memory_space<hbm>> -> memref<3136xf32, #tpu.memory_space<hbm>>
        tpu.enqueue_dma source(%arg24 : memref<3136xf32, #tpu.memory_space<vmem>>) target(%dma_start3A_142 : memref<3136xf32, #tpu.memory_space<hbm>>) target_semaphore(%run_scoped3A_141 : memref<!tpu.dma_semaphore, #tpu.memory_space<semaphore_mem>>)
        %dma_wait3A = tpu.memref_slice %arg11[%select_n3A] : memref<100000xf32, #tpu.memory_space<hbm>> -> memref<3136xf32, #tpu.memory_space<hbm>>
        %dma_wait3A_143 = tpu.memref_slice %arg11[%select_n3A] : memref<100000xf32, #tpu.memory_space<hbm>> -> memref<3136xf32, #tpu.memory_space<hbm>>
        tpu.wait_dma2 semaphore(%run_scoped3A_141 : memref<!tpu.dma_semaphore, #tpu.memory_space<semaphore_mem>>) src(%arg24 : memref<3136xf32, #tpu.memory_space<vmem>>) dst(%dma_wait3A_143 : memref<3136xf32, #tpu.memory_space<hbm>>)
        tpu.yield
      }) : () -> ()
      "tpu.region"() ({
        %run_scoped3A_141 = tpu.sem_alloc : memref<!tpu.dma_semaphore, #tpu.memory_space<semaphore_mem>>
        %dma_start3A = tpu.memref_slice %arg12[%select_n3A] : memref<100000xf32, #tpu.memory_space<hbm>> -> memref<3136xf32, #tpu.memory_space<hbm>>
        %dma_start3A_142 = tpu.memref_slice %arg12[%select_n3A] : memref<100000xf32, #tpu.memory_space<hbm>> -> memref<3136xf32, #tpu.memory_space<hbm>>
        tpu.enqueue_dma source(%arg25 : memref<3136xf32, #tpu.memory_space<vmem>>) target(%dma_start3A_142 : memref<3136xf32, #tpu.memory_space<hbm>>) target_semaphore(%run_scoped3A_141 : memref<!tpu.dma_semaphore, #tpu.memory_space<semaphore_mem>>)
        %dma_wait3A = tpu.memref_slice %arg12[%select_n3A] : memref<100000xf32, #tpu.memory_space<hbm>> -> memref<3136xf32, #tpu.memory_space<hbm>>
        %dma_wait3A_143 = tpu.memref_slice %arg12[%select_n3A] : memref<100000xf32, #tpu.memory_space<hbm>> -> memref<3136xf32, #tpu.memory_space<hbm>>
        tpu.wait_dma2 semaphore(%run_scoped3A_141 : memref<!tpu.dma_semaphore, #tpu.memory_space<semaphore_mem>>) src(%arg25 : memref<3136xf32, #tpu.memory_space<vmem>>) dst(%dma_wait3A_143 : memref<3136xf32, #tpu.memory_space<hbm>>)
        tpu.yield
      }) : () -> ()
      "tpu.region"() ({
        %run_scoped3A_141 = tpu.sem_alloc : memref<!tpu.dma_semaphore, #tpu.memory_space<semaphore_mem>>
        %dma_start3A = tpu.memref_slice %arg13[%select_n3A] : memref<100000xf32, #tpu.memory_space<hbm>> -> memref<3136xf32, #tpu.memory_space<hbm>>
        %dma_start3A_142 = tpu.memref_slice %arg13[%select_n3A] : memref<100000xf32, #tpu.memory_space<hbm>> -> memref<3136xf32, #tpu.memory_space<hbm>>
        tpu.enqueue_dma source(%arg26 : memref<3136xf32, #tpu.memory_space<vmem>>) target(%dma_start3A_142 : memref<3136xf32, #tpu.memory_space<hbm>>) target_semaphore(%run_scoped3A_141 : memref<!tpu.dma_semaphore, #tpu.memory_space<semaphore_mem>>)
        %dma_wait3A = tpu.memref_slice %arg13[%select_n3A] : memref<100000xf32, #tpu.memory_space<hbm>> -> memref<3136xf32, #tpu.memory_space<hbm>>
        %dma_wait3A_143 = tpu.memref_slice %arg13[%select_n3A] : memref<100000xf32, #tpu.memory_space<hbm>> -> memref<3136xf32, #tpu.memory_space<hbm>>
        tpu.wait_dma2 semaphore(%run_scoped3A_141 : memref<!tpu.dma_semaphore, #tpu.memory_space<semaphore_mem>>) src(%arg26 : memref<3136xf32, #tpu.memory_space<vmem>>) dst(%dma_wait3A_143 : memref<3136xf32, #tpu.memory_space<hbm>>)
        tpu.yield
      }) : () -> ()
    } else {
    }
    %ge3A = arith.constant 10 : i32
    %ge3A_19 = arith.cmpi sge, %add3A, %ge3A : i32
    %convert_element_type3A_20 = arith.extui %ge3A_19 : i1 to i32
    %cond3A_21 = arith.constant 0 : i32
    %cond3A_22 = arith.cmpi ne, %convert_element_type3A_20, %cond3A_21 : i32
    scf.if %cond3A_22 {
      "tpu.region"() ({
        %run_scoped3A_23 = tpu.sem_alloc : memref<!tpu.dma_semaphore, #tpu.memory_space<semaphore_mem>>
        %dma_start3A = arith.constant 0 : i32
        %dma_start3A_24 = tpu.memref_slice %arg23[%dma_start3A] : memref<3136xf32, #tpu.memory_space<vmem>> -> memref<3120xf32, #tpu.memory_space<vmem>>
        %dma_start3A_25 = tpu.memref_slice %arg10[%select_n3A] : memref<100000xf32, #tpu.memory_space<hbm>> -> memref<3120xf32, #tpu.memory_space<hbm>>
        %dma_start3A_26 = tpu.memref_slice %arg10[%select_n3A] : memref<100000xf32, #tpu.memory_space<hbm>> -> memref<3120xf32, #tpu.memory_space<hbm>>
        %dma_start3A_27 = arith.constant 0 : i32
        %dma_start3A_28 = tpu.memref_slice %arg23[%dma_start3A_27] : memref<3136xf32, #tpu.memory_space<vmem>> -> memref<3120xf32, #tpu.memory_space<vmem>>
        tpu.enqueue_dma source(%dma_start3A_28 : memref<3120xf32, #tpu.memory_space<vmem>>) target(%dma_start3A_26 : memref<3120xf32, #tpu.memory_space<hbm>>) target_semaphore(%run_scoped3A_23 : memref<!tpu.dma_semaphore, #tpu.memory_space<semaphore_mem>>)
        %dma_wait3A = arith.constant 0 : i32
        %dma_wait3A_29 = tpu.memref_slice %arg23[%dma_wait3A] : memref<3136xf32, #tpu.memory_space<vmem>> -> memref<3120xf32, #tpu.memory_space<vmem>>
        %dma_wait3A_30 = tpu.memref_slice %arg10[%select_n3A] : memref<100000xf32, #tpu.memory_space<hbm>> -> memref<3120xf32, #tpu.memory_space<hbm>>
        %dma_wait3A_31 = tpu.memref_slice %arg10[%select_n3A] : memref<100000xf32, #tpu.memory_space<hbm>> -> memref<3120xf32, #tpu.memory_space<hbm>>
        %dma_wait3A_32 = arith.constant 0 : i32
        %dma_wait3A_33 = tpu.memref_slice %arg23[%dma_wait3A_32] : memref<3136xf32, #tpu.memory_space<vmem>> -> memref<3120xf32, #tpu.memory_space<vmem>>
        tpu.wait_dma2 semaphore(%run_scoped3A_23 : memref<!tpu.dma_semaphore, #tpu.memory_space<semaphore_mem>>) src(%dma_wait3A_33 : memref<3120xf32, #tpu.memory_space<vmem>>) dst(%dma_wait3A_31 : memref<3120xf32, #tpu.memory_space<hbm>>)
        tpu.yield
      }) : () -> ()
      "tpu.region"() ({
        %run_scoped3A_23 = tpu.sem_alloc : memref<!tpu.dma_semaphore, #tpu.memory_space<semaphore_mem>>
        %dma_start3A = arith.constant 0 : i32
        %dma_start3A_24 = tpu.memref_slice %arg24[%dma_start3A] : memref<3136xf32, #tpu.memory_space<vmem>> -> memref<3120xf32, #tpu.memory_space<vmem>>
        %dma_start3A_25 = tpu.memref_slice %arg11[%select_n3A] : memref<100000xf32, #tpu.memory_space<hbm>> -> memref<3120xf32, #tpu.memory_space<hbm>>
        %dma_start3A_26 = tpu.memref_slice %arg11[%select_n3A] : memref<100000xf32, #tpu.memory_space<hbm>> -> memref<3120xf32, #tpu.memory_space<hbm>>
        %dma_start3A_27 = arith.constant 0 : i32
        %dma_start3A_28 = tpu.memref_slice %arg24[%dma_start3A_27] : memref<3136xf32, #tpu.memory_space<vmem>> -> memref<3120xf32, #tpu.memory_space<vmem>>
        tpu.enqueue_dma source(%dma_start3A_28 : memref<3120xf32, #tpu.memory_space<vmem>>) target(%dma_start3A_26 : memref<3120xf32, #tpu.memory_space<hbm>>) target_semaphore(%run_scoped3A_23 : memref<!tpu.dma_semaphore, #tpu.memory_space<semaphore_mem>>)
        %dma_wait3A = arith.constant 0 : i32
        %dma_wait3A_29 = tpu.memref_slice %arg24[%dma_wait3A] : memref<3136xf32, #tpu.memory_space<vmem>> -> memref<3120xf32, #tpu.memory_space<vmem>>
        %dma_wait3A_30 = tpu.memref_slice %arg11[%select_n3A] : memref<100000xf32, #tpu.memory_space<hbm>> -> memref<3120xf32, #tpu.memory_space<hbm>>
        %dma_wait3A_31 = tpu.memref_slice %arg11[%select_n3A] : memref<100000xf32, #tpu.memory_space<hbm>> -> memref<3120xf32, #tpu.memory_space<hbm>>
        %dma_wait3A_32 = arith.constant 0 : i32
        %dma_wait3A_33 = tpu.memref_slice %arg24[%dma_wait3A_32] : memref<3136xf32, #tpu.memory_space<vmem>> -> memref<3120xf32, #tpu.memory_space<vmem>>
        tpu.wait_dma2 semaphore(%run_scoped3A_23 : memref<!tpu.dma_semaphore, #tpu.memory_space<semaphore_mem>>) src(%dma_wait3A_33 : memref<3120xf32, #tpu.memory_space<vmem>>) dst(%dma_wait3A_31 : memref<3120xf32, #tpu.memory_space<hbm>>)
        tpu.yield
      }) : () -> ()
      "tpu.region"() ({
        %run_scoped3A_23 = tpu.sem_alloc : memref<!tpu.dma_semaphore, #tpu.memory_space<semaphore_mem>>
        %dma_start3A = arith.constant 0 : i32
        %dma_start3A_24 = tpu.memref_slice %arg25[%dma_start3A] : memref<3136xf32, #tpu.memory_space<vmem>> -> memref<3120xf32, #tpu.memory_space<vmem>>
        %dma_start3A_25 = tpu.memref_slice %arg12[%select_n3A] : memref<100000xf32, #tpu.memory_space<hbm>> -> memref<3120xf32, #tpu.memory_space<hbm>>
        %dma_start3A_26 = tpu.memref_slice %arg12[%select_n3A] : memref<100000xf32, #tpu.memory_space<hbm>> -> memref<3120xf32, #tpu.memory_space<hbm>>
        %dma_start3A_27 = arith.constant 0 : i32
        %dma_start3A_28 = tpu.memref_slice %arg25[%dma_start3A_27] : memref<3136xf32, #tpu.memory_space<vmem>> -> memref<3120xf32, #tpu.memory_space<vmem>>
        tpu.enqueue_dma source(%dma_start3A_28 : memref<3120xf32, #tpu.memory_space<vmem>>) target(%dma_start3A_26 : memref<3120xf32, #tpu.memory_space<hbm>>) target_semaphore(%run_scoped3A_23 : memref<!tpu.dma_semaphore, #tpu.memory_space<semaphore_mem>>)
        %dma_wait3A = arith.constant 0 : i32
        %dma_wait3A_29 = tpu.memref_slice %arg25[%dma_wait3A] : memref<3136xf32, #tpu.memory_space<vmem>> -> memref<3120xf32, #tpu.memory_space<vmem>>
        %dma_wait3A_30 = tpu.memref_slice %arg12[%select_n3A] : memref<100000xf32, #tpu.memory_space<hbm>> -> memref<3120xf32, #tpu.memory_space<hbm>>
        %dma_wait3A_31 = tpu.memref_slice %arg12[%select_n3A] : memref<100000xf32, #tpu.memory_space<hbm>> -> memref<3120xf32, #tpu.memory_space<hbm>>
        %dma_wait3A_32 = arith.constant 0 : i32
        %dma_wait3A_33 = tpu.memref_slice %arg25[%dma_wait3A_32] : memref<3136xf32, #tpu.memory_space<vmem>> -> memref<3120xf32, #tpu.memory_space<vmem>>
        tpu.wait_dma2 semaphore(%run_scoped3A_23 : memref<!tpu.dma_semaphore, #tpu.memory_space<semaphore_mem>>) src(%dma_wait3A_33 : memref<3120xf32, #tpu.memory_space<vmem>>) dst(%dma_wait3A_31 : memref<3120xf32, #tpu.memory_space<hbm>>)
        tpu.yield
      }) : () -> ()
      "tpu.region"() ({
        %run_scoped3A_23 = tpu.sem_alloc : memref<!tpu.dma_semaphore, #tpu.memory_space<semaphore_mem>>
        %dma_start3A = arith.constant 0 : i32
        %dma_start3A_24 = tpu.memref_slice %arg26[%dma_start3A] : memref<3136xf32, #tpu.memory_space<vmem>> -> memref<3120xf32, #tpu.memory_space<vmem>>
        %dma_start3A_25 = tpu.memref_slice %arg13[%select_n3A] : memref<100000xf32, #tpu.memory_space<hbm>> -> memref<3120xf32, #tpu.memory_space<hbm>>
        %dma_start3A_26 = tpu.memref_slice %arg13[%select_n3A] : memref<100000xf32, #tpu.memory_space<hbm>> -> memref<3120xf32, #tpu.memory_space<hbm>>
        %dma_start3A_27 = arith.constant 0 : i32
        %dma_start3A_28 = tpu.memref_slice %arg26[%dma_start3A_27] : memref<3136xf32, #tpu.memory_space<vmem>> -> memref<3120xf32, #tpu.memory_space<vmem>>
        tpu.enqueue_dma source(%dma_start3A_28 : memref<3120xf32, #tpu.memory_space<vmem>>) target(%dma_start3A_26 : memref<3120xf32, #tpu.memory_space<hbm>>) target_semaphore(%run_scoped3A_23 : memref<!tpu.dma_semaphore, #tpu.memory_space<semaphore_mem>>)
        %dma_wait3A = arith.constant 0 : i32
        %dma_wait3A_29 = tpu.memref_slice %arg26[%dma_wait3A] : memref<3136xf32, #tpu.memory_space<vmem>> -> memref<3120xf32, #tpu.memory_space<vmem>>
        %dma_wait3A_30 = tpu.memref_slice %arg13[%select_n3A] : memref<100000xf32, #tpu.memory_space<hbm>> -> memref<3120xf32, #tpu.memory_space<hbm>>
        %dma_wait3A_31 = tpu.memref_slice %arg13[%select_n3A] : memref<100000xf32, #tpu.memory_space<hbm>> -> memref<3120xf32, #tpu.memory_space<hbm>>
        %dma_wait3A_32 = arith.constant 0 : i32
        %dma_wait3A_33 = tpu.memref_slice %arg26[%dma_wait3A_32] : memref<3136xf32, #tpu.memory_space<vmem>> -> memref<3120xf32, #tpu.memory_space<vmem>>
        tpu.wait_dma2 semaphore(%run_scoped3A_23 : memref<!tpu.dma_semaphore, #tpu.memory_space<semaphore_mem>>) src(%dma_wait3A_33 : memref<3120xf32, #tpu.memory_space<vmem>>) dst(%dma_wait3A_31 : memref<3120xf32, #tpu.memory_space<hbm>>)
        tpu.yield
      }) : () -> ()
    } else {
    }
    return
  }
}

#map = affine_map<(d0, d1) -> (0)>
#map1 = affine_map<(d0, d1) -> (0, 0)>
#map2 = affine_map<(d0, d1) -> (0, 0, 0)>
module attributes {stable_mosaic.version = 14 : i64} {
  func.func @_edge_body(%arg0: i32, %arg1: i32, %arg2: memref<6400000xi32, #tpu.memory_space<hbm>>, %arg3: memref<6400000xi32, #tpu.memory_space<hbm>>, %arg4: memref<6400000xf32, #tpu.memory_space<hbm>>, %arg5: memref<6400000xf32, #tpu.memory_space<hbm>>, %arg6: memref<100000x8xf32, #tpu.memory_space<hbm>>, %arg7: memref<6251x8xf32, #tpu.memory_space<hbm>>, %arg8: memref<2x100016x8xf32, #tpu.memory_space<hbm>>, %arg9: memref<2000xi32, #tpu.memory_space<vmem>>, %arg10: memref<2000xi32, #tpu.memory_space<vmem>>, %arg11: memref<2000xf32, #tpu.memory_space<vmem>>, %arg12: memref<2000xf32, #tpu.memory_space<vmem>>, %arg13: memref<2000x8xf32, #tpu.memory_space<vmem>>, %arg14: memref<2000x8xf32, #tpu.memory_space<vmem>>, %arg15: memref<100016x8xf32, #tpu.memory_space<vmem_shared>>, %arg16: memref<!tpu.dma_semaphore, #tpu.memory_space<semaphore_mem>>, %arg17: memref<!tpu.dma_semaphore, #tpu.memory_space<semaphore_mem>>) attributes {dimension_semantics = [#tpu.dimension_semantics<core_parallel>, #tpu.dimension_semantics<subcore_parallel>], iteration_bounds = array<i64: 2, 16>, scalar_prefetch = 0 : i64, scratch_operands = 9 : i64, tpu.core_type = #tpu.core_type<sc_vector_subcore>, window_params = [{transform_indices = #map}, {transform_indices = #map}, {transform_indices = #map}, {transform_indices = #map}, {transform_indices = #map1}, {transform_indices = #map1}, {transform_indices = #map2}]} {
    %mul3A = arith.constant 2 : i32
    %mul3A_0 = arith.muli %arg1, %mul3A : i32
    %add3A = arith.addi %mul3A_0, %arg0 : i32
    %mul3A_1 = arith.constant 6251 : i32
    %mul3A_2 = arith.muli %arg1, %mul3A_1 : i32
    "tpu.region"() ({
      %run_scoped3A = tpu.sem_alloc : memref<!tpu.dma_semaphore, #tpu.memory_space<semaphore_mem>>
      %dma_start3A = arith.constant 0 : i32
      %dma_start3A_16 = tpu.memref_slice %arg15[%mul3A_2, %dma_start3A] : memref<100016x8xf32, #tpu.memory_space<vmem_shared>> -> memref<6251x8xf32, #tpu.memory_space<vmem_shared>>
      tpu.enqueue_dma source(%arg7 : memref<6251x8xf32, #tpu.memory_space<hbm>>) target(%dma_start3A_16 : memref<6251x8xf32, #tpu.memory_space<vmem_shared>>) target_semaphore(%run_scoped3A : memref<!tpu.dma_semaphore, #tpu.memory_space<semaphore_mem>>)
      %dma_wait3A = arith.constant 0 : i32
      %dma_wait3A_17 = tpu.memref_slice %arg15[%mul3A_2, %dma_wait3A] : memref<100016x8xf32, #tpu.memory_space<vmem_shared>> -> memref<6251x8xf32, #tpu.memory_space<vmem_shared>>
      tpu.wait_dma2 semaphore(%run_scoped3A : memref<!tpu.dma_semaphore, #tpu.memory_space<semaphore_mem>>) src(%arg7 : memref<6251x8xf32, #tpu.memory_space<hbm>>) dst(%dma_wait3A_17 : memref<6251x8xf32, #tpu.memory_space<vmem_shared>>)
      tpu.yield
    }) : () -> ()
    %barrier3A = arith.constant 0 : index
    tpu.barrier barrier_id(%barrier3A)
    %iota3A = tpu.iota {dimensions = array<i32: 0>} : vector<16xi32>
    %broadcast_in_dim3A = arith.constant 0 : i32
    %broadcast_in_dim3A_3 = vector.broadcast %broadcast_in_dim3A : i32 to vector<16xi32>
    %mul3A_4 = arith.constant 200000 : i32
    %mul3A_5 = arith.muli %add3A, %mul3A_4 : i32
    %scan3A = arith.constant 0 : i32
    %scan3A_6 = arith.constant 0 : i32
    %scan3A_7 = arith.constant 100 : i32
    %scan3A_8 = arith.addi %scan3A_6, %scan3A_7 : i32
    %scan3A_9 = arith.constant 1 : i32
    scf.for %scan3A_16 = %scan3A_6 to %scan3A_8 step %scan3A_9  : i32 {
      %mul3A_17 = arith.constant 2000 : i32
      %mul3A_18 = arith.muli %scan3A_16, %mul3A_17 : i32
      %add3A_19 = arith.addi %mul3A_5, %mul3A_18 : i32
      "tpu.region"() ({
        %run_scoped3A = tpu.sem_alloc : memref<!tpu.dma_semaphore, #tpu.memory_space<semaphore_mem>>
        %dma_start3A_36 = tpu.memref_slice %arg2[%add3A_19] : memref<6400000xi32, #tpu.memory_space<hbm>> -> memref<2000xi32, #tpu.memory_space<hbm>>
        %dma_start3A_37 = tpu.memref_slice %arg2[%add3A_19] : memref<6400000xi32, #tpu.memory_space<hbm>> -> memref<2000xi32, #tpu.memory_space<hbm>>
        tpu.enqueue_dma source(%dma_start3A_37 : memref<2000xi32, #tpu.memory_space<hbm>>) target(%arg9 : memref<2000xi32, #tpu.memory_space<vmem>>) target_semaphore(%run_scoped3A : memref<!tpu.dma_semaphore, #tpu.memory_space<semaphore_mem>>)
        %dma_wait3A_38 = tpu.memref_slice %arg2[%add3A_19] : memref<6400000xi32, #tpu.memory_space<hbm>> -> memref<2000xi32, #tpu.memory_space<hbm>>
        %dma_wait3A_39 = tpu.memref_slice %arg2[%add3A_19] : memref<6400000xi32, #tpu.memory_space<hbm>> -> memref<2000xi32, #tpu.memory_space<hbm>>
        tpu.wait_dma2 semaphore(%run_scoped3A : memref<!tpu.dma_semaphore, #tpu.memory_space<semaphore_mem>>) src(%dma_wait3A_39 : memref<2000xi32, #tpu.memory_space<hbm>>) dst(%arg9 : memref<2000xi32, #tpu.memory_space<vmem>>)
        tpu.yield
      }) : () -> ()
      "tpu.region"() ({
        %run_scoped3A = tpu.sem_alloc : memref<!tpu.dma_semaphore, #tpu.memory_space<semaphore_mem>>
        %dma_start3A_36 = tpu.memref_slice %arg3[%add3A_19] : memref<6400000xi32, #tpu.memory_space<hbm>> -> memref<2000xi32, #tpu.memory_space<hbm>>
        %dma_start3A_37 = tpu.memref_slice %arg3[%add3A_19] : memref<6400000xi32, #tpu.memory_space<hbm>> -> memref<2000xi32, #tpu.memory_space<hbm>>
        tpu.enqueue_dma source(%dma_start3A_37 : memref<2000xi32, #tpu.memory_space<hbm>>) target(%arg10 : memref<2000xi32, #tpu.memory_space<vmem>>) target_semaphore(%run_scoped3A : memref<!tpu.dma_semaphore, #tpu.memory_space<semaphore_mem>>)
        %dma_wait3A_38 = tpu.memref_slice %arg3[%add3A_19] : memref<6400000xi32, #tpu.memory_space<hbm>> -> memref<2000xi32, #tpu.memory_space<hbm>>
        %dma_wait3A_39 = tpu.memref_slice %arg3[%add3A_19] : memref<6400000xi32, #tpu.memory_space<hbm>> -> memref<2000xi32, #tpu.memory_space<hbm>>
        tpu.wait_dma2 semaphore(%run_scoped3A : memref<!tpu.dma_semaphore, #tpu.memory_space<semaphore_mem>>) src(%dma_wait3A_39 : memref<2000xi32, #tpu.memory_space<hbm>>) dst(%arg10 : memref<2000xi32, #tpu.memory_space<vmem>>)
        tpu.yield
      }) : () -> ()
      "tpu.region"() ({
        %run_scoped3A = tpu.sem_alloc : memref<!tpu.dma_semaphore, #tpu.memory_space<semaphore_mem>>
        %dma_start3A_36 = tpu.memref_slice %arg4[%add3A_19] : memref<6400000xf32, #tpu.memory_space<hbm>> -> memref<2000xf32, #tpu.memory_space<hbm>>
        %dma_start3A_37 = tpu.memref_slice %arg4[%add3A_19] : memref<6400000xf32, #tpu.memory_space<hbm>> -> memref<2000xf32, #tpu.memory_space<hbm>>
        tpu.enqueue_dma source(%dma_start3A_37 : memref<2000xf32, #tpu.memory_space<hbm>>) target(%arg11 : memref<2000xf32, #tpu.memory_space<vmem>>) target_semaphore(%run_scoped3A : memref<!tpu.dma_semaphore, #tpu.memory_space<semaphore_mem>>)
        %dma_wait3A_38 = tpu.memref_slice %arg4[%add3A_19] : memref<6400000xf32, #tpu.memory_space<hbm>> -> memref<2000xf32, #tpu.memory_space<hbm>>
        %dma_wait3A_39 = tpu.memref_slice %arg4[%add3A_19] : memref<6400000xf32, #tpu.memory_space<hbm>> -> memref<2000xf32, #tpu.memory_space<hbm>>
        tpu.wait_dma2 semaphore(%run_scoped3A : memref<!tpu.dma_semaphore, #tpu.memory_space<semaphore_mem>>) src(%dma_wait3A_39 : memref<2000xf32, #tpu.memory_space<hbm>>) dst(%arg11 : memref<2000xf32, #tpu.memory_space<vmem>>)
        tpu.yield
      }) : () -> ()
      "tpu.region"() ({
        %run_scoped3A = tpu.sem_alloc : memref<!tpu.dma_semaphore, #tpu.memory_space<semaphore_mem>>
        %dma_start3A_36 = tpu.memref_slice %arg5[%add3A_19] : memref<6400000xf32, #tpu.memory_space<hbm>> -> memref<2000xf32, #tpu.memory_space<hbm>>
        %dma_start3A_37 = tpu.memref_slice %arg5[%add3A_19] : memref<6400000xf32, #tpu.memory_space<hbm>> -> memref<2000xf32, #tpu.memory_space<hbm>>
        tpu.enqueue_dma source(%dma_start3A_37 : memref<2000xf32, #tpu.memory_space<hbm>>) target(%arg12 : memref<2000xf32, #tpu.memory_space<vmem>>) target_semaphore(%run_scoped3A : memref<!tpu.dma_semaphore, #tpu.memory_space<semaphore_mem>>)
        %dma_wait3A_38 = tpu.memref_slice %arg5[%add3A_19] : memref<6400000xf32, #tpu.memory_space<hbm>> -> memref<2000xf32, #tpu.memory_space<hbm>>
        %dma_wait3A_39 = tpu.memref_slice %arg5[%add3A_19] : memref<6400000xf32, #tpu.memory_space<hbm>> -> memref<2000xf32, #tpu.memory_space<hbm>>
        tpu.wait_dma2 semaphore(%run_scoped3A : memref<!tpu.dma_semaphore, #tpu.memory_space<semaphore_mem>>) src(%dma_wait3A_39 : memref<2000xf32, #tpu.memory_space<hbm>>) dst(%arg12 : memref<2000xf32, #tpu.memory_space<vmem>>)
        tpu.yield
      }) : () -> ()
      %dma_start3A = arith.constant 0 : i32
      %dma_start3A_20 = arith.constant 0 : i32
      %dma_start3A_21 = tpu.memref_slice %arg6[%dma_start3A, %dma_start3A_20] : memref<100000x8xf32, #tpu.memory_space<hbm>> -> memref<100000x8xf32, #tpu.memory_space<hbm>>
      tpu.enqueue_indirect_dma source(%dma_start3A_21 : memref<100000x8xf32, #tpu.memory_space<hbm>>) target(%arg13 : memref<2000x8xf32, #tpu.memory_space<vmem>>) offsets(%arg10 : memref<2000xi32, #tpu.memory_space<vmem>>) semaphore(%arg16 : memref<!tpu.dma_semaphore, #tpu.memory_space<semaphore_mem>>)
      %dma_wait3A = arith.constant 0 : i32
      %dma_wait3A_22 = arith.constant 0 : i32
      %dma_wait3A_23 = tpu.memref_slice %arg6[%dma_wait3A, %dma_wait3A_22] : memref<100000x8xf32, #tpu.memory_space<hbm>> -> memref<100000x8xf32, #tpu.memory_space<hbm>>
      tpu.wait_indirect_dma semaphore(%arg16 : memref<!tpu.dma_semaphore, #tpu.memory_space<semaphore_mem>>) src(%dma_wait3A_23 : memref<100000x8xf32, #tpu.memory_space<hbm>>) dst(%arg13 : memref<2000x8xf32, #tpu.memory_space<vmem>>)
      %scan3A_24 = arith.constant 0 : i32
      %scan3A_25 = arith.constant 0 : i32
      %scan3A_26 = arith.constant 125 : i32
      %scan3A_27 = arith.addi %scan3A_25, %scan3A_26 : i32
      %scan3A_28 = arith.constant 1 : i32
      scf.for %scan3A_36 = %scan3A_25 to %scan3A_27 step %scan3A_28  : i32 {
        %mul3A_37 = arith.constant 16 : i32
        %mul3A_38 = arith.muli %scan3A_36, %mul3A_37 : i32
        %add3A_39 = vector.broadcast %mul3A_38 : i32 to vector<16xi32>
        %add3A_40 = arith.addi %add3A_39, %iota3A : vector<16xi32>
        %get3A = arith.index_cast %mul3A_38 : i32 to index
        %get3A_41 = tpu.vector_load %arg11[%get3A] {strides = array<i32>} : memref<2000xf32, #tpu.memory_space<vmem>>, vector<16xf32>,
        %get3A_42 = arith.index_cast %mul3A_38 : i32 to index
        %get3A_43 = tpu.vector_load %arg12[%get3A_42] {strides = array<i32>} : memref<2000xf32, #tpu.memory_space<vmem>>, vector<16xf32>,
        %gather3A = tpu.vector_load_idx %arg13[%add3A_40, %broadcast_in_dim3A_3] : memref<2000x8xf32, #tpu.memory_space<vmem>>[vector<16xi32>, vector<16xi32>], vector<16xf32>,
        %add3A_44 = arith.constant 1 : i32
        %add3A_45 = vector.broadcast %add3A_44 : i32 to vector<16xi32>
        %add3A_46 = arith.addi %broadcast_in_dim3A_3, %add3A_45 : vector<16xi32>
        %gather3A_47 = tpu.vector_load_idx %arg13[%add3A_40, %add3A_46] : memref<2000x8xf32, #tpu.memory_space<vmem>>[vector<16xi32>, vector<16xi32>], vector<16xf32>,
        %add3A_48 = arith.constant 2 : i32
        %add3A_49 = vector.broadcast %add3A_48 : i32 to vector<16xi32>
        %add3A_50 = arith.addi %broadcast_in_dim3A_3, %add3A_49 : vector<16xi32>
        %gather3A_51 = tpu.vector_load_idx %arg13[%add3A_40, %add3A_50] : memref<2000x8xf32, #tpu.memory_space<vmem>>[vector<16xi32>, vector<16xi32>], vector<16xf32>,
        %add3A_52 = arith.constant 3 : i32
        %add3A_53 = vector.broadcast %add3A_52 : i32 to vector<16xi32>
        %add3A_54 = arith.addi %broadcast_in_dim3A_3, %add3A_53 : vector<16xi32>
        %gather3A_55 = tpu.vector_load_idx %arg13[%add3A_40, %add3A_54] : memref<2000x8xf32, #tpu.memory_space<vmem>>[vector<16xi32>, vector<16xi32>], vector<16xf32>,
        %add3A_56 = arith.constant 4 : i32
        %add3A_57 = vector.broadcast %add3A_56 : i32 to vector<16xi32>
        %add3A_58 = arith.addi %broadcast_in_dim3A_3, %add3A_57 : vector<16xi32>
        %gather3A_59 = tpu.vector_load_idx %arg13[%add3A_40, %add3A_58] : memref<2000x8xf32, #tpu.memory_space<vmem>>[vector<16xi32>, vector<16xi32>], vector<16xf32>,
        %add3A_60 = arith.constant 5 : i32
        %add3A_61 = vector.broadcast %add3A_60 : i32 to vector<16xi32>
        %add3A_62 = arith.addi %broadcast_in_dim3A_3, %add3A_61 : vector<16xi32>
        %gather3A_63 = tpu.vector_load_idx %arg13[%add3A_40, %add3A_62] : memref<2000x8xf32, #tpu.memory_space<vmem>>[vector<16xi32>, vector<16xi32>], vector<16xf32>,
        %mul3A_64 = arith.mulf %get3A_41, %get3A_41 : vector<16xf32>
        %mul3A_65 = arith.mulf %get3A_43, %get3A_43 : vector<16xf32>
        %add3A_66 = arith.addf %mul3A_64, %mul3A_65 : vector<16xf32>
        %mul3A_67 = arith.mulf %gather3A, %get3A_41 : vector<16xf32>
        tpu.vector_store_idx %arg14[%add3A_40, %broadcast_in_dim3A_3], %mul3A_67 : memref<2000x8xf32, #tpu.memory_space<vmem>>[vector<16xi32>, vector<16xi32>], vector<16xf32>,
        %add3A_68 = arith.constant 1 : i32
        %add3A_69 = vector.broadcast %add3A_68 : i32 to vector<16xi32>
        %add3A_70 = arith.addi %broadcast_in_dim3A_3, %add3A_69 : vector<16xi32>
        %mul3A_71 = arith.mulf %gather3A, %get3A_43 : vector<16xf32>
        tpu.vector_store_idx %arg14[%add3A_40, %add3A_70], %mul3A_71 : memref<2000x8xf32, #tpu.memory_space<vmem>>[vector<16xi32>, vector<16xi32>], vector<16xf32>,
        %add3A_72 = arith.constant 2 : i32
        %add3A_73 = vector.broadcast %add3A_72 : i32 to vector<16xi32>
        %add3A_74 = arith.addi %broadcast_in_dim3A_3, %add3A_73 : vector<16xi32>
        %mul3A_75 = arith.mulf %gather3A_47, %add3A_66 : vector<16xf32>
        tpu.vector_store_idx %arg14[%add3A_40, %add3A_74], %mul3A_75 : memref<2000x8xf32, #tpu.memory_space<vmem>>[vector<16xi32>, vector<16xi32>], vector<16xf32>,
        %add3A_76 = arith.constant 3 : i32
        %add3A_77 = vector.broadcast %add3A_76 : i32 to vector<16xi32>
        %add3A_78 = arith.addi %broadcast_in_dim3A_3, %add3A_77 : vector<16xi32>
        %mul3A_79 = arith.mulf %gather3A_59, %get3A_41 : vector<16xf32>
        %mul3A_80 = arith.mulf %gather3A_63, %get3A_43 : vector<16xf32>
        %add3A_81 = arith.addf %mul3A_79, %mul3A_80 : vector<16xf32>
        %mul3A_82 = arith.mulf %gather3A, %add3A_81 : vector<16xf32>
        tpu.vector_store_idx %arg14[%add3A_40, %add3A_78], %mul3A_82 : memref<2000x8xf32, #tpu.memory_space<vmem>>[vector<16xi32>, vector<16xi32>], vector<16xf32>,
        %add3A_83 = arith.constant 4 : i32
        %add3A_84 = vector.broadcast %add3A_83 : i32 to vector<16xi32>
        %add3A_85 = arith.addi %broadcast_in_dim3A_3, %add3A_84 : vector<16xi32>
        %mul3A_86 = arith.mulf %gather3A_51, %get3A_41 : vector<16xf32>
        tpu.vector_store_idx %arg14[%add3A_40, %add3A_85], %mul3A_86 : memref<2000x8xf32, #tpu.memory_space<vmem>>[vector<16xi32>, vector<16xi32>], vector<16xf32>,
        %add3A_87 = arith.constant 5 : i32
        %add3A_88 = vector.broadcast %add3A_87 : i32 to vector<16xi32>
        %add3A_89 = arith.addi %broadcast_in_dim3A_3, %add3A_88 : vector<16xi32>
        %mul3A_90 = arith.mulf %gather3A_51, %get3A_43 : vector<16xf32>
        tpu.vector_store_idx %arg14[%add3A_40, %add3A_89], %mul3A_90 : memref<2000x8xf32, #tpu.memory_space<vmem>>[vector<16xi32>, vector<16xi32>], vector<16xf32>,
        %add3A_91 = arith.constant 6 : i32
        %add3A_92 = vector.broadcast %add3A_91 : i32 to vector<16xi32>
        %add3A_93 = arith.addi %broadcast_in_dim3A_3, %add3A_92 : vector<16xi32>
        %mul3A_94 = arith.mulf %gather3A_55, %get3A_41 : vector<16xf32>
        tpu.vector_store_idx %arg14[%add3A_40, %add3A_93], %mul3A_94 : memref<2000x8xf32, #tpu.memory_space<vmem>>[vector<16xi32>, vector<16xi32>], vector<16xf32>,
        %add3A_95 = arith.constant 7 : i32
        %add3A_96 = vector.broadcast %add3A_95 : i32 to vector<16xi32>
        %add3A_97 = arith.addi %broadcast_in_dim3A_3, %add3A_96 : vector<16xi32>
        %mul3A_98 = arith.mulf %gather3A_55, %get3A_43 : vector<16xf32>
        tpu.vector_store_idx %arg14[%add3A_40, %add3A_97], %mul3A_98 : memref<2000x8xf32, #tpu.memory_space<vmem>>[vector<16xi32>, vector<16xi32>], vector<16xf32>,
      }
      %scan3A_29 = arith.constant 125 : i32
      %dma_start3A_30 = arith.constant 0 : i32
      %dma_start3A_31 = arith.constant 0 : i32
      %dma_start3A_32 = tpu.memref_slice %arg15[%dma_start3A_30, %dma_start3A_31] : memref<100016x8xf32, #tpu.memory_space<vmem_shared>> -> memref<100016x8xf32, #tpu.memory_space<vmem_shared>>
      tpu.enqueue_indirect_dma source(%arg14 : memref<2000x8xf32, #tpu.memory_space<vmem>>) target(%dma_start3A_32 : memref<100016x8xf32, #tpu.memory_space<vmem_shared>>) offsets(%arg9 : memref<2000xi32, #tpu.memory_space<vmem>>) semaphore(%arg17 : memref<!tpu.dma_semaphore, #tpu.memory_space<semaphore_mem>>) {add = true}
      %dma_wait3A_33 = arith.constant 0 : i32
      %dma_wait3A_34 = arith.constant 0 : i32
      %dma_wait3A_35 = tpu.memref_slice %arg15[%dma_wait3A_33, %dma_wait3A_34] : memref<100016x8xf32, #tpu.memory_space<vmem_shared>> -> memref<100016x8xf32, #tpu.memory_space<vmem_shared>>
      tpu.wait_indirect_dma semaphore(%arg17 : memref<!tpu.dma_semaphore, #tpu.memory_space<semaphore_mem>>) src(%arg14 : memref<2000x8xf32, #tpu.memory_space<vmem>>) dst(%dma_wait3A_35 : memref<100016x8xf32, #tpu.memory_space<vmem_shared>>)
    }
    %scan3A_10 = arith.constant 100 : i32
    %barrier3A_11 = arith.constant 0 : index
    tpu.barrier barrier_id(%barrier3A_11)
    %mul3A_12 = arith.constant 6251 : i32
    %mul3A_13 = arith.muli %arg1, %mul3A_12 : i32
    %mul3A_14 = arith.constant 6251 : i32
    %mul3A_15 = arith.muli %arg1, %mul3A_14 : i32
    "tpu.region"() ({
      %run_scoped3A = tpu.sem_alloc : memref<!tpu.dma_semaphore, #tpu.memory_space<semaphore_mem>>
      %dma_start3A = arith.constant 0 : i32
      %dma_start3A_16 = tpu.memref_slice %arg8[%arg0, %mul3A_15, %dma_start3A] : memref<2x100016x8xf32, #tpu.memory_space<hbm>> -> memref<1x6251x8xf32, #tpu.memory_space<hbm>>
      %dma_start3A_17 = tpu.memref_squeeze %dma_start3A_16 : memref<1x6251x8xf32, #tpu.memory_space<hbm>> -> memref<6251x8xf32, #tpu.memory_space<hbm>>
      %dma_start3A_18 = arith.constant 0 : i32
      %dma_start3A_19 = tpu.memref_slice %arg15[%mul3A_13, %dma_start3A_18] : memref<100016x8xf32, #tpu.memory_space<vmem_shared>> -> memref<6251x8xf32, #tpu.memory_space<vmem_shared>>
      tpu.enqueue_dma source(%dma_start3A_19 : memref<6251x8xf32, #tpu.memory_space<vmem_shared>>) target(%dma_start3A_17 : memref<6251x8xf32, #tpu.memory_space<hbm>>) target_semaphore(%run_scoped3A : memref<!tpu.dma_semaphore, #tpu.memory_space<semaphore_mem>>)
      %dma_wait3A = arith.constant 0 : i32
      %dma_wait3A_20 = tpu.memref_slice %arg8[%arg0, %mul3A_15, %dma_wait3A] : memref<2x100016x8xf32, #tpu.memory_space<hbm>> -> memref<1x6251x8xf32, #tpu.memory_space<hbm>>
      %dma_wait3A_21 = tpu.memref_squeeze %dma_wait3A_20 : memref<1x6251x8xf32, #tpu.memory_space<hbm>> -> memref<6251x8xf32, #tpu.memory_space<hbm>>
      %dma_wait3A_22 = arith.constant 0 : i32
      %dma_wait3A_23 = tpu.memref_slice %arg15[%mul3A_13, %dma_wait3A_22] : memref<100016x8xf32, #tpu.memory_space<vmem_shared>> -> memref<6251x8xf32, #tpu.memory_space<vmem_shared>>
      tpu.wait_dma2 semaphore(%run_scoped3A : memref<!tpu.dma_semaphore, #tpu.memory_space<semaphore_mem>>) src(%dma_wait3A_23 : memref<6251x8xf32, #tpu.memory_space<vmem_shared>>) dst(%dma_wait3A_21 : memref<6251x8xf32, #tpu.memory_space<hbm>>)
      tpu.yield
    }) : () -> ()
    return
  }
}

#map = affine_map<(d0, d1) -> (0)>
#map1 = affine_map<(d0, d1) -> (0, 0)>
module attributes {stable_mosaic.version = 14 : i64} {
  func.func @_prep_body(%arg0: i32, %arg1: i32, %arg2: memref<100016xf32, #tpu.memory_space<hbm>>, %arg3: memref<100016xf32, #tpu.memory_space<hbm>>, %arg4: memref<100016xf32, #tpu.memory_space<hbm>>, %arg5: memref<100016xf32, #tpu.memory_space<hbm>>, %arg6: memref<100016xf32, #tpu.memory_space<hbm>>, %arg7: memref<102400xf32, #tpu.memory_space<hbm>>, %arg8: memref<102400xf32, #tpu.memory_space<hbm>>, %arg9: memref<100000x8xf32, #tpu.memory_space<hbm>>, %arg10: memref<3136xf32, #tpu.memory_space<vmem>>, %arg11: memref<3136xf32, #tpu.memory_space<vmem>>, %arg12: memref<3136xf32, #tpu.memory_space<vmem>>, %arg13: memref<3136xf32, #tpu.memory_space<vmem>>, %arg14: memref<3136xf32, #tpu.memory_space<vmem>>, %arg15: memref<3136xf32, #tpu.memory_space<vmem>>, %arg16: memref<3136xf32, #tpu.memory_space<vmem>>, %arg17: memref<3136x8xf32, #tpu.memory_space<vmem>>) attributes {dimension_semantics = [#tpu.dimension_semantics<core_parallel>, #tpu.dimension_semantics<subcore_parallel>], iteration_bounds = array<i64: 2, 16>, scalar_prefetch = 0 : i64, scratch_operands = 8 : i64, tpu.core_type = #tpu.core_type<sc_vector_subcore>, window_params = [{transform_indices = #map}, {transform_indices = #map}, {transform_indices = #map}, {transform_indices = #map}, {transform_indices = #map}, {transform_indices = #map}, {transform_indices = #map}, {transform_indices = #map1}]} {
    %mul3A = arith.constant 2 : i32
    %mul3A_0 = arith.muli %arg1, %mul3A : i32
    %add3A = arith.addi %mul3A_0, %arg0 : i32
    %lt3A = arith.constant 10 : i32
    %lt3A_1 = arith.cmpi slt, %add3A, %lt3A : i32
    %mul3A_2 = arith.constant 3136 : i32
    %mul3A_3 = arith.muli %add3A, %mul3A_2 : i32
    %sub3A = arith.constant 10 : i32
    %sub3A_4 = arith.subi %add3A, %sub3A : i32
    %mul3A_5 = arith.constant 3120 : i32
    %mul3A_6 = arith.muli %sub3A_4, %mul3A_5 : i32
    %add3A_7 = arith.constant 31360 : i32
    %add3A_8 = arith.addi %add3A_7, %mul3A_6 : i32
    %select_n3A = arith.select %lt3A_1, %mul3A_3, %add3A_8 : i32
    "tpu.region"() ({
      %run_scoped3A = tpu.sem_alloc : memref<!tpu.dma_semaphore, #tpu.memory_space<semaphore_mem>>
      %dma_start3A = tpu.memref_slice %arg2[%select_n3A] : memref<100016xf32, #tpu.memory_space<hbm>> -> memref<3136xf32, #tpu.memory_space<hbm>>
      %dma_start3A_22 = tpu.memref_slice %arg2[%select_n3A] : memref<100016xf32, #tpu.memory_space<hbm>> -> memref<3136xf32, #tpu.memory_space<hbm>>
      tpu.enqueue_dma source(%dma_start3A_22 : memref<3136xf32, #tpu.memory_space<hbm>>) target(%arg10 : memref<3136xf32, #tpu.memory_space<vmem>>) target_semaphore(%run_scoped3A : memref<!tpu.dma_semaphore, #tpu.memory_space<semaphore_mem>>)
      %dma_wait3A = tpu.memref_slice %arg2[%select_n3A] : memref<100016xf32, #tpu.memory_space<hbm>> -> memref<3136xf32, #tpu.memory_space<hbm>>
      %dma_wait3A_23 = tpu.memref_slice %arg2[%select_n3A] : memref<100016xf32, #tpu.memory_space<hbm>> -> memref<3136xf32, #tpu.memory_space<hbm>>
      tpu.wait_dma2 semaphore(%run_scoped3A : memref<!tpu.dma_semaphore, #tpu.memory_space<semaphore_mem>>) src(%dma_wait3A_23 : memref<3136xf32, #tpu.memory_space<hbm>>) dst(%arg10 : memref<3136xf32, #tpu.memory_space<vmem>>)
      tpu.yield
    }) : () -> ()
    "tpu.region"() ({
      %run_scoped3A = tpu.sem_alloc : memref<!tpu.dma_semaphore, #tpu.memory_space<semaphore_mem>>
      %dma_start3A = tpu.memref_slice %arg3[%select_n3A] : memref<100016xf32, #tpu.memory_space<hbm>> -> memref<3136xf32, #tpu.memory_space<hbm>>
      %dma_start3A_22 = tpu.memref_slice %arg3[%select_n3A] : memref<100016xf32, #tpu.memory_space<hbm>> -> memref<3136xf32, #tpu.memory_space<hbm>>
      tpu.enqueue_dma source(%dma_start3A_22 : memref<3136xf32, #tpu.memory_space<hbm>>) target(%arg11 : memref<3136xf32, #tpu.memory_space<vmem>>) target_semaphore(%run_scoped3A : memref<!tpu.dma_semaphore, #tpu.memory_space<semaphore_mem>>)
      %dma_wait3A = tpu.memref_slice %arg3[%select_n3A] : memref<100016xf32, #tpu.memory_space<hbm>> -> memref<3136xf32, #tpu.memory_space<hbm>>
      %dma_wait3A_23 = tpu.memref_slice %arg3[%select_n3A] : memref<100016xf32, #tpu.memory_space<hbm>> -> memref<3136xf32, #tpu.memory_space<hbm>>
      tpu.wait_dma2 semaphore(%run_scoped3A : memref<!tpu.dma_semaphore, #tpu.memory_space<semaphore_mem>>) src(%dma_wait3A_23 : memref<3136xf32, #tpu.memory_space<hbm>>) dst(%arg11 : memref<3136xf32, #tpu.memory_space<vmem>>)
      tpu.yield
    }) : () -> ()
    "tpu.region"() ({
      %run_scoped3A = tpu.sem_alloc : memref<!tpu.dma_semaphore, #tpu.memory_space<semaphore_mem>>
      %dma_start3A = tpu.memref_slice %arg4[%select_n3A] : memref<100016xf32, #tpu.memory_space<hbm>> -> memref<3136xf32, #tpu.memory_space<hbm>>
      %dma_start3A_22 = tpu.memref_slice %arg4[%select_n3A] : memref<100016xf32, #tpu.memory_space<hbm>> -> memref<3136xf32, #tpu.memory_space<hbm>>
      tpu.enqueue_dma source(%dma_start3A_22 : memref<3136xf32, #tpu.memory_space<hbm>>) target(%arg12 : memref<3136xf32, #tpu.memory_space<vmem>>) target_semaphore(%run_scoped3A : memref<!tpu.dma_semaphore, #tpu.memory_space<semaphore_mem>>)
      %dma_wait3A = tpu.memref_slice %arg4[%select_n3A] : memref<100016xf32, #tpu.memory_space<hbm>> -> memref<3136xf32, #tpu.memory_space<hbm>>
      %dma_wait3A_23 = tpu.memref_slice %arg4[%select_n3A] : memref<100016xf32, #tpu.memory_space<hbm>> -> memref<3136xf32, #tpu.memory_space<hbm>>
      tpu.wait_dma2 semaphore(%run_scoped3A : memref<!tpu.dma_semaphore, #tpu.memory_space<semaphore_mem>>) src(%dma_wait3A_23 : memref<3136xf32, #tpu.memory_space<hbm>>) dst(%arg12 : memref<3136xf32, #tpu.memory_space<vmem>>)
      tpu.yield
    }) : () -> ()
    "tpu.region"() ({
      %run_scoped3A = tpu.sem_alloc : memref<!tpu.dma_semaphore, #tpu.memory_space<semaphore_mem>>
      %dma_start3A = tpu.memref_slice %arg5[%select_n3A] : memref<100016xf32, #tpu.memory_space<hbm>> -> memref<3136xf32, #tpu.memory_space<hbm>>
      %dma_start3A_22 = tpu.memref_slice %arg5[%select_n3A] : memref<100016xf32, #tpu.memory_space<hbm>> -> memref<3136xf32, #tpu.memory_space<hbm>>
      tpu.enqueue_dma source(%dma_start3A_22 : memref<3136xf32, #tpu.memory_space<hbm>>) target(%arg13 : memref<3136xf32, #tpu.memory_space<vmem>>) target_semaphore(%run_scoped3A : memref<!tpu.dma_semaphore, #tpu.memory_space<semaphore_mem>>)
      %dma_wait3A = tpu.memref_slice %arg5[%select_n3A] : memref<100016xf32, #tpu.memory_space<hbm>> -> memref<3136xf32, #tpu.memory_space<hbm>>
      %dma_wait3A_23 = tpu.memref_slice %arg5[%select_n3A] : memref<100016xf32, #tpu.memory_space<hbm>> -> memref<3136xf32, #tpu.memory_space<hbm>>
      tpu.wait_dma2 semaphore(%run_scoped3A : memref<!tpu.dma_semaphore, #tpu.memory_space<semaphore_mem>>) src(%dma_wait3A_23 : memref<3136xf32, #tpu.memory_space<hbm>>) dst(%arg13 : memref<3136xf32, #tpu.memory_space<vmem>>)
      tpu.yield
    }) : () -> ()
    "tpu.region"() ({
      %run_scoped3A = tpu.sem_alloc : memref<!tpu.dma_semaphore, #tpu.memory_space<semaphore_mem>>
      %dma_start3A = tpu.memref_slice %arg6[%select_n3A] : memref<100016xf32, #tpu.memory_space<hbm>> -> memref<3136xf32, #tpu.memory_space<hbm>>
      %dma_start3A_22 = tpu.memref_slice %arg6[%select_n3A] : memref<100016xf32, #tpu.memory_space<hbm>> -> memref<3136xf32, #tpu.memory_space<hbm>>
      tpu.enqueue_dma source(%dma_start3A_22 : memref<3136xf32, #tpu.memory_space<hbm>>) target(%arg14 : memref<3136xf32, #tpu.memory_space<vmem>>) target_semaphore(%run_scoped3A : memref<!tpu.dma_semaphore, #tpu.memory_space<semaphore_mem>>)
      %dma_wait3A = tpu.memref_slice %arg6[%select_n3A] : memref<100016xf32, #tpu.memory_space<hbm>> -> memref<3136xf32, #tpu.memory_space<hbm>>
      %dma_wait3A_23 = tpu.memref_slice %arg6[%select_n3A] : memref<100016xf32, #tpu.memory_space<hbm>> -> memref<3136xf32, #tpu.memory_space<hbm>>
      tpu.wait_dma2 semaphore(%run_scoped3A : memref<!tpu.dma_semaphore, #tpu.memory_space<semaphore_mem>>) src(%dma_wait3A_23 : memref<3136xf32, #tpu.memory_space<hbm>>) dst(%arg14 : memref<3136xf32, #tpu.memory_space<vmem>>)
      tpu.yield
    }) : () -> ()
    "tpu.region"() ({
      %run_scoped3A = tpu.sem_alloc : memref<!tpu.dma_semaphore, #tpu.memory_space<semaphore_mem>>
      %dma_start3A = tpu.memref_slice %arg7[%select_n3A] : memref<102400xf32, #tpu.memory_space<hbm>> -> memref<3136xf32, #tpu.memory_space<hbm>>
      %dma_start3A_22 = tpu.memref_slice %arg7[%select_n3A] : memref<102400xf32, #tpu.memory_space<hbm>> -> memref<3136xf32, #tpu.memory_space<hbm>>
      tpu.enqueue_dma source(%dma_start3A_22 : memref<3136xf32, #tpu.memory_space<hbm>>) target(%arg15 : memref<3136xf32, #tpu.memory_space<vmem>>) target_semaphore(%run_scoped3A : memref<!tpu.dma_semaphore, #tpu.memory_space<semaphore_mem>>)
      %dma_wait3A = tpu.memref_slice %arg7[%select_n3A] : memref<102400xf32, #tpu.memory_space<hbm>> -> memref<3136xf32, #tpu.memory_space<hbm>>
      %dma_wait3A_23 = tpu.memref_slice %arg7[%select_n3A] : memref<102400xf32, #tpu.memory_space<hbm>> -> memref<3136xf32, #tpu.memory_space<hbm>>
      tpu.wait_dma2 semaphore(%run_scoped3A : memref<!tpu.dma_semaphore, #tpu.memory_space<semaphore_mem>>) src(%dma_wait3A_23 : memref<3136xf32, #tpu.memory_space<hbm>>) dst(%arg15 : memref<3136xf32, #tpu.memory_space<vmem>>)
      tpu.yield
    }) : () -> ()
    "tpu.region"() ({
      %run_scoped3A = tpu.sem_alloc : memref<!tpu.dma_semaphore, #tpu.memory_space<semaphore_mem>>
      %dma_start3A = tpu.memref_slice %arg8[%select_n3A] : memref<102400xf32, #tpu.memory_space<hbm>> -> memref<3136xf32, #tpu.memory_space<hbm>>
      %dma_start3A_22 = tpu.memref_slice %arg8[%select_n3A] : memref<102400xf32, #tpu.memory_space<hbm>> -> memref<3136xf32, #tpu.memory_space<hbm>>
      tpu.enqueue_dma source(%dma_start3A_22 : memref<3136xf32, #tpu.memory_space<hbm>>) target(%arg16 : memref<3136xf32, #tpu.memory_space<vmem>>) target_semaphore(%run_scoped3A : memref<!tpu.dma_semaphore, #tpu.memory_space<semaphore_mem>>)
      %dma_wait3A = tpu.memref_slice %arg8[%select_n3A] : memref<102400xf32, #tpu.memory_space<hbm>> -> memref<3136xf32, #tpu.memory_space<hbm>>
      %dma_wait3A_23 = tpu.memref_slice %arg8[%select_n3A] : memref<102400xf32, #tpu.memory_space<hbm>> -> memref<3136xf32, #tpu.memory_space<hbm>>
      tpu.wait_dma2 semaphore(%run_scoped3A : memref<!tpu.dma_semaphore, #tpu.memory_space<semaphore_mem>>) src(%dma_wait3A_23 : memref<3136xf32, #tpu.memory_space<hbm>>) dst(%arg16 : memref<3136xf32, #tpu.memory_space<vmem>>)
      tpu.yield
    }) : () -> ()
    %iota3A = tpu.iota {dimensions = array<i32: 0>} : vector<16xi32>
    %broadcast_in_dim3A = arith.constant 0 : i32
    %broadcast_in_dim3A_9 = vector.broadcast %broadcast_in_dim3A : i32 to vector<16xi32>
    %scan3A = arith.constant 0 : i32
    %scan3A_10 = arith.constant 0 : i32
    %scan3A_11 = arith.constant 196 : i32
    %scan3A_12 = arith.addi %scan3A_10, %scan3A_11 : i32
    %scan3A_13 = arith.constant 1 : i32
    scf.for %scan3A_22 = %scan3A_10 to %scan3A_12 step %scan3A_13  : i32 {
      %mul3A_23 = arith.constant 16 : i32
      %mul3A_24 = arith.muli %scan3A_22, %mul3A_23 : i32
      %add3A_25 = vector.broadcast %mul3A_24 : i32 to vector<16xi32>
      %add3A_26 = arith.addi %add3A_25, %iota3A : vector<16xi32>
      %get3A = arith.index_cast %mul3A_24 : i32 to index
      %get3A_27 = tpu.vector_load %arg10[%get3A] {strides = array<i32>} : memref<3136xf32, #tpu.memory_space<vmem>>, vector<16xf32>,
      %get3A_28 = arith.index_cast %mul3A_24 : i32 to index
      %get3A_29 = tpu.vector_load %arg11[%get3A_28] {strides = array<i32>} : memref<3136xf32, #tpu.memory_space<vmem>>, vector<16xf32>,
      %get3A_30 = arith.index_cast %mul3A_24 : i32 to index
      %get3A_31 = tpu.vector_load %arg12[%get3A_30] {strides = array<i32>} : memref<3136xf32, #tpu.memory_space<vmem>>, vector<16xf32>,
      %get3A_32 = arith.index_cast %mul3A_24 : i32 to index
      %get3A_33 = tpu.vector_load %arg13[%get3A_32] {strides = array<i32>} : memref<3136xf32, #tpu.memory_space<vmem>>, vector<16xf32>,
      %get3A_34 = arith.index_cast %mul3A_24 : i32 to index
      %get3A_35 = tpu.vector_load %arg14[%get3A_34] {strides = array<i32>} : memref<3136xf32, #tpu.memory_space<vmem>>, vector<16xf32>,
      %get3A_36 = arith.index_cast %mul3A_24 : i32 to index
      %get3A_37 = tpu.vector_load %arg15[%get3A_36] {strides = array<i32>} : memref<3136xf32, #tpu.memory_space<vmem>>, vector<16xf32>,
      %get3A_38 = arith.index_cast %mul3A_24 : i32 to index
      %get3A_39 = tpu.vector_load %arg16[%get3A_38] {strides = array<i32>} : memref<3136xf32, #tpu.memory_space<vmem>>, vector<16xf32>,
      %mul3A_40 = arith.mulf %get3A_27, %get3A_29 : vector<16xf32>
      %mul3A_41 = arith.mulf %get3A_31, %get3A_31 : vector<16xf32>
      %div3A = arith.divf %mul3A_41, %mul3A_40 : vector<16xf32>
      %sub3A_42 = arith.constant 0.000000e+00 : f32
      %sub3A_43 = vector.broadcast %sub3A_42 : f32 to vector<16xf32>
      %sub3A_44 = arith.subf %sub3A_43, %mul3A_40 : vector<16xf32>
      %mul3A_45 = arith.mulf %get3A_33, %get3A_29 : vector<16xf32>
      %mul3A_46 = arith.mulf %mul3A_45, %mul3A_45 : vector<16xf32>
      %div3A_47 = arith.divf %get3A_35, %mul3A_46 : vector<16xf32>
      %mul3A_48 = arith.mulf %sub3A_44, %div3A_47 : vector<16xf32>
      tpu.vector_store_idx %arg17[%add3A_26, %broadcast_in_dim3A_9], %get3A_31 : memref<3136x8xf32, #tpu.memory_space<vmem>>[vector<16xi32>, vector<16xi32>], vector<16xf32>,
      %add3A_49 = arith.constant 1 : i32
      %add3A_50 = vector.broadcast %add3A_49 : i32 to vector<16xi32>
      %add3A_51 = arith.addi %broadcast_in_dim3A_9, %add3A_50 : vector<16xi32>
      tpu.vector_store_idx %arg17[%add3A_26, %add3A_51], %div3A : memref<3136x8xf32, #tpu.memory_space<vmem>>[vector<16xi32>, vector<16xi32>], vector<16xf32>,
      %add3A_52 = arith.constant 2 : i32
      %add3A_53 = vector.broadcast %add3A_52 : i32 to vector<16xi32>
      %add3A_54 = arith.addi %broadcast_in_dim3A_9, %add3A_53 : vector<16xi32>
      tpu.vector_store_idx %arg17[%add3A_26, %add3A_54], %sub3A_44 : memref<3136x8xf32, #tpu.memory_space<vmem>>[vector<16xi32>, vector<16xi32>], vector<16xf32>,
      %add3A_55 = arith.constant 3 : i32
      %add3A_56 = vector.broadcast %add3A_55 : i32 to vector<16xi32>
      %add3A_57 = arith.addi %broadcast_in_dim3A_9, %add3A_56 : vector<16xi32>
      tpu.vector_store_idx %arg17[%add3A_26, %add3A_57], %mul3A_48 : memref<3136x8xf32, #tpu.memory_space<vmem>>[vector<16xi32>, vector<16xi32>], vector<16xf32>,
      %add3A_58 = arith.constant 4 : i32
      %add3A_59 = vector.broadcast %add3A_58 : i32 to vector<16xi32>
      %add3A_60 = arith.addi %broadcast_in_dim3A_9, %add3A_59 : vector<16xi32>
      tpu.vector_store_idx %arg17[%add3A_26, %add3A_60], %get3A_37 : memref<3136x8xf32, #tpu.memory_space<vmem>>[vector<16xi32>, vector<16xi32>], vector<16xf32>,
      %add3A_61 = arith.constant 5 : i32
      %add3A_62 = vector.broadcast %add3A_61 : i32 to vector<16xi32>
      %add3A_63 = arith.addi %broadcast_in_dim3A_9, %add3A_62 : vector<16xi32>
      tpu.vector_store_idx %arg17[%add3A_26, %add3A_63], %get3A_39 : memref<3136x8xf32, #tpu.memory_space<vmem>>[vector<16xi32>, vector<16xi32>], vector<16xf32>,
    }
    %scan3A_14 = arith.constant 196 : i32
    %lt3A_15 = arith.constant 10 : i32
    %lt3A_16 = arith.cmpi slt, %add3A, %lt3A_15 : i32
    %convert_element_type3A = arith.extui %lt3A_16 : i1 to i32
    %cond3A = arith.constant 0 : i32
    %cond3A_17 = arith.cmpi ne, %convert_element_type3A, %cond3A : i32
    scf.if %cond3A_17 {
      "tpu.region"() ({
        %run_scoped3A = tpu.sem_alloc : memref<!tpu.dma_semaphore, #tpu.memory_space<semaphore_mem>>
        %dma_start3A = arith.constant 0 : i32
        %dma_start3A_22 = tpu.memref_slice %arg9[%select_n3A, %dma_start3A] : memref<100000x8xf32, #tpu.memory_space<hbm>> -> memref<3136x8xf32, #tpu.memory_space<hbm>>
        %dma_start3A_23 = arith.constant 0 : i32
        %dma_start3A_24 = tpu.memref_slice %arg9[%select_n3A, %dma_start3A_23] : memref<100000x8xf32, #tpu.memory_space<hbm>> -> memref<3136x8xf32, #tpu.memory_space<hbm>>
        tpu.enqueue_dma source(%arg17 : memref<3136x8xf32, #tpu.memory_space<vmem>>) target(%dma_start3A_24 : memref<3136x8xf32, #tpu.memory_space<hbm>>) target_semaphore(%run_scoped3A : memref<!tpu.dma_semaphore, #tpu.memory_space<semaphore_mem>>)
        %dma_wait3A = arith.constant 0 : i32
        %dma_wait3A_25 = tpu.memref_slice %arg9[%select_n3A, %dma_wait3A] : memref<100000x8xf32, #tpu.memory_space<hbm>> -> memref<3136x8xf32, #tpu.memory_space<hbm>>
        %dma_wait3A_26 = arith.constant 0 : i32
        %dma_wait3A_27 = tpu.memref_slice %arg9[%select_n3A, %dma_wait3A_26] : memref<100000x8xf32, #tpu.memory_space<hbm>> -> memref<3136x8xf32, #tpu.memory_space<hbm>>
        tpu.wait_dma2 semaphore(%run_scoped3A : memref<!tpu.dma_semaphore, #tpu.memory_space<semaphore_mem>>) src(%arg17 : memref<3136x8xf32, #tpu.memory_space<vmem>>) dst(%dma_wait3A_27 : memref<3136x8xf32, #tpu.memory_space<hbm>>)
        tpu.yield
      }) : () -> ()
    } else {
    }
    %ge3A = arith.constant 10 : i32
    %ge3A_18 = arith.cmpi sge, %add3A, %ge3A : i32
    %convert_element_type3A_19 = arith.extui %ge3A_18 : i1 to i32
    %cond3A_20 = arith.constant 0 : i32
    %cond3A_21 = arith.cmpi ne, %convert_element_type3A_19, %cond3A_20 : i32
    scf.if %cond3A_21 {
      "tpu.region"() ({
        %run_scoped3A = tpu.sem_alloc : memref<!tpu.dma_semaphore, #tpu.memory_space<semaphore_mem>>
        %dma_start3A = arith.constant 0 : i32
        %dma_start3A_22 = arith.constant 0 : i32
        %dma_start3A_23 = tpu.memref_slice %arg17[%dma_start3A, %dma_start3A_22] : memref<3136x8xf32, #tpu.memory_space<vmem>> -> memref<3120x8xf32, #tpu.memory_space<vmem>>
        %dma_start3A_24 = arith.constant 0 : i32
        %dma_start3A_25 = tpu.memref_slice %arg9[%select_n3A, %dma_start3A_24] : memref<100000x8xf32, #tpu.memory_space<hbm>> -> memref<3120x8xf32, #tpu.memory_space<hbm>>
        %dma_start3A_26 = arith.constant 0 : i32
        %dma_start3A_27 = tpu.memref_slice %arg9[%select_n3A, %dma_start3A_26] : memref<100000x8xf32, #tpu.memory_space<hbm>> -> memref<3120x8xf32, #tpu.memory_space<hbm>>
        %dma_start3A_28 = arith.constant 0 : i32
        %dma_start3A_29 = arith.constant 0 : i32
        %dma_start3A_30 = tpu.memref_slice %arg17[%dma_start3A_28, %dma_start3A_29] : memref<3136x8xf32, #tpu.memory_space<vmem>> -> memref<3120x8xf32, #tpu.memory_space<vmem>>
        tpu.enqueue_dma source(%dma_start3A_30 : memref<3120x8xf32, #tpu.memory_space<vmem>>) target(%dma_start3A_27 : memref<3120x8xf32, #tpu.memory_space<hbm>>) target_semaphore(%run_scoped3A : memref<!tpu.dma_semaphore, #tpu.memory_space<semaphore_mem>>)
        %dma_wait3A = arith.constant 0 : i32
        %dma_wait3A_31 = arith.constant 0 : i32
        %dma_wait3A_32 = tpu.memref_slice %arg17[%dma_wait3A, %dma_wait3A_31] : memref<3136x8xf32, #tpu.memory_space<vmem>> -> memref<3120x8xf32, #tpu.memory_space<vmem>>
        %dma_wait3A_33 = arith.constant 0 : i32
        %dma_wait3A_34 = tpu.memref_slice %arg9[%select_n3A, %dma_wait3A_33] : memref<100000x8xf32, #tpu.memory_space<hbm>> -> memref<3120x8xf32, #tpu.memory_space<hbm>>
        %dma_wait3A_35 = arith.constant 0 : i32
        %dma_wait3A_36 = tpu.memref_slice %arg9[%select_n3A, %dma_wait3A_35] : memref<100000x8xf32, #tpu.memory_space<hbm>> -> memref<3120x8xf32, #tpu.memory_space<hbm>>
        %dma_wait3A_37 = arith.constant 0 : i32
        %dma_wait3A_38 = arith.constant 0 : i32
        %dma_wait3A_39 = tpu.memref_slice %arg17[%dma_wait3A_37, %dma_wait3A_38] : memref<3136x8xf32, #tpu.memory_space<vmem>> -> memref<3120x8xf32, #tpu.memory_space<vmem>>
        tpu.wait_dma2 semaphore(%run_scoped3A : memref<!tpu.dma_semaphore, #tpu.memory_space<semaphore_mem>>) src(%dma_wait3A_39 : memref<3120x8xf32, #tpu.memory_space<vmem>>) dst(%dma_wait3A_36 : memref<3120x8xf32, #tpu.memory_space<hbm>>)
        tpu.yield
      }) : () -> ()
    } else {
    }
    return
  }
}

module attributes {stable_mosaic.version = 14 : i64} {
  func.func @_tcv_body(%arg0: i32, %arg1: memref<2x25600xf32, #tpu.memory_space<vmem>>, %arg2: memref<200x128xf32, #tpu.memory_space<vmem>>, %arg3: memref<200x128xf32, #tpu.memory_space<vmem>>) attributes {dimension_semantics = [#tpu.dimension_semantics<arbitrary>], iteration_bounds = array<i64: 4>, scalar_prefetch = 0 : i64, scratch_operands = 0 : i64, tpu.core_type = #tpu.core_type<tc>, window_params = [{transform_indices = @transform_0, window_bounds = array<i64: 2, 25600>}, {transform_indices = @transform_1, window_bounds = array<i64: 200, 128>}, {transform_indices = @transform_2, window_bounds = array<i64: 200, 128>}]} {
    %get3A = arith.constant 0 : index
    %get3A_0 = arith.constant 0 : index
    %get3A_1 = vector.load %arg1[%get3A, %get3A_0] : memref<2x25600xf32, #tpu.memory_space<vmem>>, vector<2x25600xf32>
    %slice3A = vector.extract_strided_slice %get3A_1 {offsets = [0, 0], sizes = [1, 25600], strides = [1, 1]} : vector<2x25600xf32> to vector<1x25600xf32>
    %squeeze3A = vector.shape_cast %slice3A : vector<1x25600xf32> to vector<25600xf32>
    %reshape3A = vector.shape_cast %squeeze3A : vector<25600xf32> to vector<200x128xf32>
    %swap3A = arith.constant 0 : index
    %swap3A_2 = arith.constant 0 : index
    %swap3A_3 = vector.load %arg2[%swap3A, %swap3A_2] : memref<200x128xf32, #tpu.memory_space<vmem>>, vector<200x128xf32>
    tpu.vector_store %arg2[%swap3A, %swap3A_2], %reshape3A {strides = array<i32>} : memref<200x128xf32, #tpu.memory_space<vmem>>, vector<200x128xf32>,
    %slice3A_4 = vector.extract_strided_slice %get3A_1 {offsets = [1, 0], sizes = [1, 25600], strides = [1, 1]} : vector<2x25600xf32> to vector<1x25600xf32>
    %squeeze3A_5 = vector.shape_cast %slice3A_4 : vector<1x25600xf32> to vector<25600xf32>
    %reshape3A_6 = vector.shape_cast %squeeze3A_5 : vector<25600xf32> to vector<200x128xf32>
    %swap3A_7 = arith.constant 0 : index
    %swap3A_8 = arith.constant 0 : index
    %swap3A_9 = vector.load %arg3[%swap3A_7, %swap3A_8] : memref<200x128xf32, #tpu.memory_space<vmem>>, vector<200x128xf32>
    tpu.vector_store %arg3[%swap3A_7, %swap3A_8], %reshape3A_6 {strides = array<i32>} : memref<200x128xf32, #tpu.memory_space<vmem>>, vector<200x128xf32>,
    return
  }
  func.func @transform_0(%arg0: i32) -> (i32, i32) {
    %c0_i32 = arith.constant 0 : i32
    %c0_i32_0 = arith.constant 0 : i32
    return %c0_i32, %arg0 : i32, i32
  }
  func.func @transform_1(%arg0: i32) -> (i32, i32) {
    %c0_i32 = arith.constant 0 : i32
    %c0_i32_0 = arith.constant 0 : i32
    return %arg0, %c0_i32 : i32, i32
  }
  func.func @transform_2(%arg0: i32) -> (i32, i32) {
    %c0_i32 = arith.constant 0 : i32
    %c0_i32_0 = arith.constant 0 : i32
    return %arg0, %c0_i32 : i32, i32
  }
}

module attributes {stable_mosaic.version = 14 : i64} {
  func.func @_tc_body(%arg0: i32, %arg1: memref<2x10240xi32, #tpu.memory_space<vmem>>, %arg2: memref<80x128xf32, #tpu.memory_space<vmem>>, %arg3: memref<2x10240xf32, #tpu.memory_space<vmem>>, %arg4: memref<80x128xi32, #tpu.memory_space<vmem>>, %arg5: memref<80x128xi32, #tpu.memory_space<vmem>>, %arg6: memref<80x128xf32, #tpu.memory_space<vmem>>, %arg7: memref<80x128xf32, #tpu.memory_space<vmem>>) attributes {dimension_semantics = [#tpu.dimension_semantics<arbitrary>], iteration_bounds = array<i64: 625>, scalar_prefetch = 0 : i64, scratch_operands = 0 : i64, tpu.core_type = #tpu.core_type<tc>, window_params = [{transform_indices = @transform_0, window_bounds = array<i64: 2, 10240>}, {transform_indices = @transform_1, window_bounds = array<i64: 80, 128>}, {transform_indices = @transform_2, window_bounds = array<i64: 2, 10240>}, {transform_indices = @transform_3, window_bounds = array<i64: 80, 128>}, {transform_indices = @transform_4, window_bounds = array<i64: 80, 128>}, {transform_indices = @transform_5, window_bounds = array<i64: 80, 128>}, {transform_indices = @transform_6, window_bounds = array<i64: 80, 128>}]} {
    %get3A = arith.constant 0 : index
    %get3A_0 = arith.constant 0 : index
    %get3A_1 = vector.load %arg1[%get3A, %get3A_0] : memref<2x10240xi32, #tpu.memory_space<vmem>>, vector<2x10240xi32>
    %slice3A = vector.extract_strided_slice %get3A_1 {offsets = [0, 0], sizes = [1, 10240], strides = [1, 1]} : vector<2x10240xi32> to vector<1x10240xi32>
    %squeeze3A = vector.shape_cast %slice3A : vector<1x10240xi32> to vector<10240xi32>
    %reshape3A = vector.shape_cast %squeeze3A : vector<10240xi32> to vector<80x128xi32>
    %swap3A = arith.constant 0 : index
    %swap3A_2 = arith.constant 0 : index
    %swap3A_3 = vector.load %arg4[%swap3A, %swap3A_2] : memref<80x128xi32, #tpu.memory_space<vmem>>, vector<80x128xi32>
    tpu.vector_store %arg4[%swap3A, %swap3A_2], %reshape3A {strides = array<i32>} : memref<80x128xi32, #tpu.memory_space<vmem>>, vector<80x128xi32>,
    %slice3A_4 = vector.extract_strided_slice %get3A_1 {offsets = [1, 0], sizes = [1, 10240], strides = [1, 1]} : vector<2x10240xi32> to vector<1x10240xi32>
    %squeeze3A_5 = vector.shape_cast %slice3A_4 : vector<1x10240xi32> to vector<10240xi32>
    %reshape3A_6 = vector.shape_cast %squeeze3A_5 : vector<10240xi32> to vector<80x128xi32>
    %swap3A_7 = arith.constant 0 : index
    %swap3A_8 = arith.constant 0 : index
    %swap3A_9 = vector.load %arg5[%swap3A_7, %swap3A_8] : memref<80x128xi32, #tpu.memory_space<vmem>>, vector<80x128xi32>
    tpu.vector_store %arg5[%swap3A_7, %swap3A_8], %reshape3A_6 {strides = array<i32>} : memref<80x128xi32, #tpu.memory_space<vmem>>, vector<80x128xi32>,
    %get3A_10 = arith.constant 0 : index
    %get3A_11 = arith.constant 0 : index
    %get3A_12 = vector.load %arg2[%get3A_10, %get3A_11] : memref<80x128xf32, #tpu.memory_space<vmem>>, vector<80x128xf32>
    %get3A_13 = arith.constant 0 : index
    %get3A_14 = arith.constant 0 : index
    %get3A_15 = vector.load %arg3[%get3A_13, %get3A_14] : memref<2x10240xf32, #tpu.memory_space<vmem>>, vector<2x10240xf32>
    %sub3A = arith.constant 1.000000e+00 : f32
    %sub3A_16 = vector.broadcast %sub3A : f32 to vector<80x128xf32>
    %sub3A_17 = arith.subf %sub3A_16, %get3A_12 : vector<80x128xf32>
    %le3A = arith.constant 1.000000e+00 : f32
    %le3A_18 = vector.broadcast %le3A : f32 to vector<80x128xf32>
    %le3A_19 = arith.cmpf ole, %get3A_12, %le3A_18 : vector<80x128xf32>
    %mul3A = arith.constant -356507.063 : f32
    %mul3A_20 = vector.broadcast %mul3A : f32 to vector<80x128xf32>
    %mul3A_21 = arith.mulf %mul3A_20, %get3A_12 : vector<80x128xf32>
    %mul3A_22 = arith.mulf %sub3A_17, %sub3A_17 : vector<80x128xf32>
    %mul3A_23 = arith.mulf %mul3A_22, %sub3A_17 : vector<80x128xf32>
    %mul3A_24 = arith.mulf %mul3A_21, %mul3A_23 : vector<80x128xf32>
    %jit3A = arith.constant 0.000000e+00 : f32
    %broadcast_in_dim3A = vector.broadcast %jit3A : f32 to vector<80x128xf32>
    %select_n3A = arith.select %le3A_19, %mul3A_24, %broadcast_in_dim3A : vector<80x128xi1>, vector<80x128xf32>
    %slice3A_25 = vector.extract_strided_slice %get3A_15 {offsets = [0, 0], sizes = [1, 10240], strides = [1, 1]} : vector<2x10240xf32> to vector<1x10240xf32>
    %squeeze3A_26 = vector.shape_cast %slice3A_25 : vector<1x10240xf32> to vector<10240xf32>
    %reshape3A_27 = vector.shape_cast %squeeze3A_26 : vector<10240xf32> to vector<80x128xf32>
    %mul3A_28 = arith.mulf %select_n3A, %reshape3A_27 : vector<80x128xf32>
    %swap3A_29 = arith.constant 0 : index
    %swap3A_30 = arith.constant 0 : index
    %swap3A_31 = vector.load %arg6[%swap3A_29, %swap3A_30] : memref<80x128xf32, #tpu.memory_space<vmem>>, vector<80x128xf32>
    tpu.vector_store %arg6[%swap3A_29, %swap3A_30], %mul3A_28 {strides = array<i32>} : memref<80x128xf32, #tpu.memory_space<vmem>>, vector<80x128xf32>,
    %slice3A_32 = vector.extract_strided_slice %get3A_15 {offsets = [1, 0], sizes = [1, 10240], strides = [1, 1]} : vector<2x10240xf32> to vector<1x10240xf32>
    %squeeze3A_33 = vector.shape_cast %slice3A_32 : vector<1x10240xf32> to vector<10240xf32>
    %reshape3A_34 = vector.shape_cast %squeeze3A_33 : vector<10240xf32> to vector<80x128xf32>
    %mul3A_35 = arith.mulf %select_n3A, %reshape3A_34 : vector<80x128xf32>
    %swap3A_36 = arith.constant 0 : index
    %swap3A_37 = arith.constant 0 : index
    %swap3A_38 = vector.load %arg7[%swap3A_36, %swap3A_37] : memref<80x128xf32, #tpu.memory_space<vmem>>, vector<80x128xf32>
    tpu.vector_store %arg7[%swap3A_36, %swap3A_37], %mul3A_35 {strides = array<i32>} : memref<80x128xf32, #tpu.memory_space<vmem>>, vector<80x128xf32>,
    return
  }
  func.func @transform_0(%arg0: i32) -> (i32, i32) {
    %c0_i32 = arith.constant 0 : i32
    %c0_i32_0 = arith.constant 0 : i32
    return %c0_i32, %arg0 : i32, i32
  }
  func.func @transform_1(%arg0: i32) -> (i32, i32) {
    %c0_i32 = arith.constant 0 : i32
    %c0_i32_0 = arith.constant 0 : i32
    return %arg0, %c0_i32 : i32, i32
  }
  func.func @transform_2(%arg0: i32) -> (i32, i32) {
    %c0_i32 = arith.constant 0 : i32
    %c0_i32_0 = arith.constant 0 : i32
    return %c0_i32, %arg0 : i32, i32
  }
  func.func @transform_3(%arg0: i32) -> (i32, i32) {
    %c0_i32 = arith.constant 0 : i32
    %c0_i32_0 = arith.constant 0 : i32
    return %arg0, %c0_i32 : i32, i32
  }
  func.func @transform_4(%arg0: i32) -> (i32, i32) {
    %c0_i32 = arith.constant 0 : i32
    %c0_i32_0 = arith.constant 0 : i32
    return %arg0, %c0_i32 : i32, i32
  }
  func.func @transform_5(%arg0: i32) -> (i32, i32) {
    %c0_i32 = arith.constant 0 : i32
    %c0_i32_0 = arith.constant 0 : i32
    return %arg0, %c0_i32 : i32, i32
  }
  func.func @transform_6(%arg0: i32) -> (i32, i32) {
    %c0_i32 = arith.constant 0 : i32
    %c0_i32_0 = arith.constant 0 : i32
    return %arg0, %c0_i32 : i32, i32
  }
}

</mosaic_0001>

<sc_bundles>
// kernel: kernel.10.cloned.1.call-start
scs
__scs_entry_jumppad:
0x0: {  	(pc) =	sbr.rel $0x88, $3  }
0x1: {  	(tag) =	ssettag $0x0;
	lr =	simm.s32 $0x1  }
0x2: {  	[smem:$0x3F98] =	sst lr;
	_ =	strace $0xD0000000  }
0x3: {  	_ = 	snop  }
0x4: {  	_ = 	snop  }
0x5: {  	_ = 	snop  }
0x6: {  	_ = 	snop  }
0x7: {  	_ = 	snop  }
__scs_overlays_trampoline_lowered:
0x8: {  	[smem:$0x3FA7] =	sst s0  }
0x9: {  	[smem:$0x3FA8] =	sst s1  }
0xa: {  	[smem:$0x3FA9] =	sst s2  }
0xb: {  	[smem:$0x3FAA] =	sst s3  }
0xc: {  	[smem:$0x3FAB] =	sst s4  }
0xd: {  	[smem:$0x3FAC] =	sst s5  }
0xe: {  	[smem:$0x3FAD] =	sst s6  }
0xf: {  	[smem:$0x3FAE] =	sst s7  }
0x10: {  	[smem:$0x3FAF] =	sst s8  }
0x11: {  	[smem:$0x3FB0] =	sst s9;
	s0 =	simm.s32 @!p0 $0x0  }
0x12: {  	s1 =	sld [smem:$0x3F96];
	s0 =	simm.s32 @p0 $0x1  }
0x13: {  	[smem:$0x3FB1] =	sst s0;
	s0 =	simm.s32 @!p1 $0x0  }
0x14: {  	s2 =	sld [smem:$0x3F95];
	s0 =	simm.s32 @p1 $0x1  }
0x15: {  	[smem:$0x3FB2] =	sst s0;
	s0 =	simm.s32 @!p2 $0x0  }
0x16: {  	s3 =	sld [smem:$0x3FDB];
	s0 =	simm.s32 @p2 $0x1  }
0x17: {  	s4 =	simm.s32 $0x1BF5;
	[smem:$0x3FB4] =	sst s0  }
0x18: {  	s0 =	sld [smem:$0x3F97];
	_ =	swait.ge [sflag:s4], $0x0  }
0x19: {  	s7 =	sld [smem:$0x3F98]  }
0x1a: {  	s8 =	sadd.s32 $0xFFFFE003, lr  }
0x1b: {  	s9 =	sadd.s32 $0xFFFFFEF7, lr;
	s5 =	simm.s32 $0xFFFFFFFF;
	p2 =	slt.u32 s8, $0xFFFFF086  }
0x1c: {  	p1 =	slt.u32 s9, $0xF7A;
	s5 =	simm.s32 @!p2 $0x0  }
0x1d: {  	s5 =	simm.s32 @p1 $0x1;
	p0 =	seq.s32 s7, s2  }
0x1e: {  	s7 =	smul.u32 @!p0 $0xF7A, s2;
	p2 =	seq.s32 @!p0 s5, $0x0  }
0x1f: {  	s9 =	smul.u32 $0xF7A, s1;
	s8 =	simm.s32 @!p0 $0x1BF5;
	p2 =	por !p2, p0  }
0x20: {  	[sflag:s8] =	ssyncset.s32 @!p0 $0xFFFFF086;
	s6 =	sadd.s32 @!p0 s3, s7;
	s7 =	simm.s32 @!p0 $0x108  }
0x21: {  	s3 =	sadd.s32 s3, s9;
	s6 =	sadd.s32 @!p0 $0x88, s6;
	s7 =	simm.s32 @p2 $0x1082  }
0x22: {  	[simem:s7], [sflag:s8] =	dma.local @!p0 [hbm:s6], $0xF7A  }
0x23: {  	s9 =	sor.u32 $0xD0000000, s2;
	s6 =	simm.s32 $0x108;
	_ =	swait.ge @!p0 [sflag:s8], $0x0  }
0x24: {  	s3 =	sadd.s32 $0x88, s3;
	s6 =	simm.s32 @!p1 $0x1082;
	[sflag:s4] =	ssyncset.s32 $0xFFFFF086  }
0x25: {  	[simem:s6], [sflag:s4] =	dma.local [hbm:s3], $0xF7A  }
0x26: {  	[smem:$0x3F98] =	sst s1;
	(tag) =	ssettag s2;
	_ =	strace s9  }
0x27: {  	s1 =	sld [smem:$0x3FA8]  }
0x28: {  	s2 =	sld [smem:$0x3FA9]  }
0x29: {  	s4 =	sld [smem:$0x3FAB]  }
0x2a: {  	p0 =	seq.s32 s5, $0x0;
	s5 =	sld [smem:$0x3FAC]  }
0x2b: {  	s6 =	sld [smem:$0x3FAD]  }
0x2c: {  	s7 =	sld [smem:$0x3FAE]  }
0x2d: {  	s3 =	simm.s32 $0x108;
	s8 =	sld [smem:$0x3FAF]  }
0x2e: {  	s3 =	simm.s32 @!p0 $0x1082;
	s9 =	sld [smem:$0x3FB0]  }
0x2f: {  	lr =	sadd.s32 s0, s3;
	s0 =	sld [smem:$0x3FA7]  }
0x30: {  	s3 =	sld [smem:$0x3FAA]  }
0x31: {  	[smem:$0x3FB3] =	sst s10  }
0x32: {  	s10 =	sld [smem:$0x3FB1];
	_ =	sdelay $0x3  }
0x33: {  	p0 =	seq.s32 s10, $0x1;
	s10 =	sld [smem:$0x3FB3];
	_ =	sdelay $0x3  }
0x34: {  	[smem:$0x3FB3] =	sst s10  }
0x35: {  	s10 =	sld [smem:$0x3FB2];
	_ =	sdelay $0x3  }
0x36: {  	p1 =	seq.s32 s10, $0x1;
	s10 =	sld [smem:$0x3FB3];
	_ =	sdelay $0x3  }
0x37: {  	[smem:$0x3FB3] =	sst s10  }
0x38: {  	s10 =	sld [smem:$0x3FB4]  }
0x39: {  	_ = 	snop;
	(pc) =	sbr.ind lr, $3  }
0x3a: {  	_ = 	snop  }
0x3b: {  	_ = 	snop  }
0x3c: {  	p2 =	seq.s32 s10, $0x1;
	s10 =	sld [smem:$0x3FB3]  }
0x3d: {  	_ =	shalt  }
0x3e: {  	_ =	shalt  }
0x3f: {  	_ =	shalt  }
0x40: {  	_ =	shalt  }
0x41: {  	_ =	shalt  }
0x42: {  	_ =	shalt  }
0x43: {  	_ =	shalt  }
0x44: {  	_ =	shalt  }
0x45: {  	_ =	shalt  }
0x46: {  	_ =	shalt  }
0x47: {  	_ =	shalt  }
0x48: {  	_ =	shalt  }
0x49: {  	_ =	shalt  }
0x4a: {  	_ =	shalt  }
0x4b: {  	_ =	shalt  }
0x4c: {  	_ =	shalt  }
0x4d: {  	_ =	shalt  }
0x4e: {  	_ =	shalt  }
0x4f: {  	_ =	shalt  }
0x50: {  	_ =	shalt  }
0x51: {  	_ =	shalt  }
0x52: {  	_ =	shalt  }
0x53: {  	_ =	shalt  }
0x54: {  	_ =	shalt  }
0x55: {  	_ =	shalt  }
0x56: {  	_ =	shalt  }
0x57: {  	_ =	shalt  }
0x58: {  	_ =	shalt  }
0x59: {  	_ =	shalt  }
0x5a: {  	_ =	shalt  }
0x5b: {  	_ =	shalt  }
0x5c: {  	_ =	shalt  }
0x5d: {  	_ =	shalt  }
0x5e: {  	_ =	shalt  }
0x5f: {  	_ =	shalt  }
0x60: {  	_ =	shalt  }
0x61: {  	_ =	shalt  }
0x62: {  	_ =	shalt  }
0x63: {  	_ =	shalt  }
0x64: {  	_ =	shalt  }
0x65: {  	_ =	shalt  }
0x66: {  	_ =	shalt  }
0x67: {  	_ =	shalt  }
0x68: {  	_ =	shalt  }
0x69: {  	_ =	shalt  }
0x6a: {  	_ =	shalt  }
0x6b: {  	_ =	shalt  }
0x6c: {  	_ =	shalt  }
0x6d: {  	_ =	shalt  }
0x6e: {  	_ =	shalt  }
0x6f: {  	_ =	shalt  }
0x70: {  	_ =	shalt  }
0x71: {  	_ =	shalt  }
0x72: {  	_ =	shalt  }
0x73: {  	_ =	shalt  }
0x74: {  	_ =	shalt  }
0x75: {  	_ =	shalt  }
0x76: {  	_ =	shalt  }
0x77: {  	_ =	shalt  }
0x78: {  	_ =	shalt  }
0x79: {  	_ =	shalt  }
0x7a: {  	_ =	shalt  }
0x7b: {  	_ =	shalt  }
0x7c: {  	_ =	shalt  }
0x7d: {  	_ =	shalt  }
0x7e: {  	_ =	shalt  }
0x7f: {  	_ =	shalt  }
0x80: {  	_ =	shalt  }
0x81: {  	_ =	shalt  }
0x82: {  	_ =	shalt  }
0x83: {  	_ =	shalt  }
0x84: {  	_ =	shalt  }
0x85: {  	_ =	shalt  }
0x86: {  	_ =	shalt  }
0x87: {  	_ =	shalt  }
.Lfunc_end0:
.L_simem_size_0:
called_computation.1_lowered:
.L_overlay_start_0:
0x88: {  	s2 =	sld [smem:$0x3FD9]  }
0x89: {  	s3 =	sld [smem:$0x3FFE];
	_ =	sdelay $0x1  }
0x8a: {  	s1 =	srdreg.scid  }
0x8b: {  	s0 =	sand.u32 $0x1, s1  }
0x8c: {  	s14 =	sshll.u32 s0, $0xA;
	s2 =	sadd.s32 s3, s2  }
0x8d: {  	s2 =	sadd.s32 s2, s14  }
0x8e: {  	[smem:$0x3FBF] =	sst s2  }
0x8f: {  	_ = 	snop  }
0x90: {  	s2 =	sld [smem:$0x3FD0];
	_ =	sdelay $0x2  }
0x91: {  	s15 =	simm.s32 $0xA;
	s4 =	simm.s32 $0x10  }
0x92: {  	[smem:s4], [sflag:s15] =	dma.local [hbm:s2], $0x1  }
0x93: {  	_ =	swait.eq [sflag:s15], $0x1  }
0x94: {  	[sflag:s15] =	ssyncset.done $0x0  }
0x95: {  	[sflag:s15] =	ssyncadd.s32 $0xFFFFFFFF  }
0x96: {  	s16 =	sld [smem:$0x11];
	(tm) =	ssettm $0x1  }
0x97: {  	s17 =	sld [smem:$0x3FFB];
	_ =	sdelay $0x3  }
0x98: {  	_ =	strace s17  }
0x99: {  	s3 =	sld [smem:$0x3FFC];
	_ =	sdelay $0x3  }
0x9a: {  	_ =	strace s3  }
0x9b: {  	s3 =	sld [smem:$0x3FFD];
	_ =	sdelay $0x3  }
0x9c: {  	_ =	strace s3  }
0x9d: {  	_ =	strace $0x8FFFFFFF  }
0x9e: {  	s18 =	sld [smem:$0x3FDB];
	_ =	sdelay $0x1  }
0x9f: {  	s19 =	simm.s32 $_scs_section_size  }
0xa0: {  	s5 =	simm.s32 $_size__tile_overlayer_lowered;
	s6 =	simm.s32 $_tile_overlayer_lowered  }
0xa1: {  	s22 =	simm.s32 $0x1BFF;
	s21 =	sshll.u32 s6, $0x1;
	s3 =	sadd.s32 s19, s18  }
0xa2: {  	s7 =	simm.s32 $0x0;
	s20 =	sshll.u32 s5, $0x1;
	s5 =	sadd.s32 s21, s3  }
0xa3: {  	[timem:s7], [sflag:s22] =	dma.local [hbm:s5], s20  }
0xa4: {  	_ =	swait.ge [sflag:s22], s20  }
0xa5: {  	s4 =	ssub.s32 $0x0, s20;
	[sflag:s22] =	ssyncset.done $0x0  }
0xa6: {  	[sflag:s22] =	ssyncadd.s32 s4;
	_ =	sdelay $0x1  }
0xa7: {  	s23 =	simm.s32 $0x1B8B  }
0xa8: {  	_ =	swait.ge [sflag:s23], $0x1  }
0xa9: {  	[sflag:s23] =	ssyncset.done $0x0  }
0xaa: {  	s25 =	simm.s32 $0x1B8E;
	s24 =	sld [smem:$0x3FFE];
	[sflag:s23] =	ssyncadd.s32 $0xFFFFFFFF  }
0xab: {  	s26 =	simm.s32 $execute0_lowered;
	[smem:$0x3FD2] =	sst s25  }
0xac: {  	s5 =	sshll.u32 s26, $0x1;
	_ =	strace $0x80000049;
	[dreg:$0x1] =	wrdreg $0xFFFFFFFF  }
0xad: {  	s28 =	simm.s32 $_size_execute0_lowered;
	s3 =	sadd.s32 s3, s5;
	[dreg:$0x0] =	wrdreg $0x0  }
0xae: {  	s5 =	sshll.u32 s28, $0x1;
	[dreg:$0x2] =	wrdreg s3  }
0xaf: {  	[dreg:$0x3] =	wrdreg s5  }
0xb0: {  	[dreg:$0x4] =	wrdreg $0xC0  }
0xb1: {  	_ =	task [dreg:s7], $0x5FFFF  }
0xb2: {  	[dreg:$0x1] =	wrdreg $0xFFFFFFFF  }
0xb3: {  	[dreg:$0x0] =	wrdreg $0x60  }
0xb4: {  	[dreg:$0x2] =	wrdreg s24  }
0xb5: {  	[dreg:$0x3] =	wrdreg s16  }
0xb6: {  	[dreg:$0x4] =	wrdreg $0x9C400  }
0xb7: {  	[dreg:$0x5] =	wrdreg $0x9  }
0xb8: {  	_ =	task.clear_ibuf [dreg:s7], $0x6FFFF;
	_ =	strace $0x90000049  }
0xb9: {  	s29 =	simm.s32 $0x9;
	_ =	strace $0x8000004B  }
0xba: {  	_ =	swait.ge [sflag:s29], $0x1  }
0xbb: {  	[sflag:s29] =	ssyncadd.s32 $0xFFFFFFFF  }
0xbc: {  	_ =	strace $0x9000004B  }
0xbd: {  	_ =	sfence  }
0xbe: {  	s30 =	sld [smem:$0x0];
	_ =	sdelay $0x2  }
0xbf: {  	s31 =	sshll.u32 s1, $0xD;
	s1 =	sshrl.u32 s1, $0x2  }
0xc0: {  	s3 =	sand.u32 $0x4000, s31;
	s1 =	sadd.s32 s1, s30  }
0xc1: {  	s0 =	sor.u32 s3, s0;
	s1 =	sshll.u32 s1, $0x11  }
0xc2: {  	s0 =	sor.u32 s1, s0  }
0xc3: {  	s0 =	sadd.s32 $0x8F2B, s0  }
0xc4: {  	[sflag:s0] =	ssyncadd.remote.s32 $0x1  }
0xc5: {  	_ =	sfence.sel $0xFFFF  }
0xc6: {  	[dreg:$0x0] =	wrdreg $0xFFFFFFFF;
	(pc) =	sbr.abs _section_cstart, $3  }
0xc7: {  	[dreg:$0x1] =	wrdreg $0xFFFFFFFF  }
0xc8: {  	_ =	task.clear_ibuf [dreg:s7], $0x2FFFF;
	_ =	strace $0x9FFFFFFF  }
0xc9: {  	(tm) =	ssettm $0x7FFFFFFF  }
tec
execute0_lowered:
.L_overlay_start_1:
0x0: {  	(tag) =	ssettag $0x1  }
0x1: {  	s10 =	rddreg [dreg:$0x0]  }
0x2: {  	s1 =	rddreg [dreg:$0x1]  }
0x3: {  	s3 =	rddreg [dreg:$0x2]  }
0x4: {  	s0 =	rddreg [dreg:$0x3];
	s4 =	simm.s32 $0x0;
	s5 =	srdreg.scid  }
0x5: {  	s2 =	stileid.u32;
	s16 =	simm.s32 $0x7D0;
	s17 =	simm.s32 $0x1F40  }
0x6: {  	s18 =	simm.s32 $0x1;
	s19 =	simm.s32 $0x5DC0;
	s20 =	simm.s32 $0x2  }
0x7: {  	s21 =	simm.s32 $0x0;
	[smem:$0x7FF] =	sst s4;
	s11 =	sand.u32 $0x1, s5  }
0x8: {  	s12 =	smul.u32 $0xC358, s2;
	s5 =	sadd.s32 $0x2CC00, s10;
	s6 =	sadd.s32 $0xF0200, s10  }
0x9: {  	s7 =	sadd.s32 $0x1B3800, s10;
	s8 =	sadd.s32 $0x276E00, s10;
	s29 =	sshll.u32 s2, $0x1  }
0xa: {  	s31 =	sshll.u32 s2, $0x6;
	s9 =	smul.u32 $0xC3580, s11;
	s14 =	ssub.s32 $0x2, s11  }
0xb: {  	_ =	strace $0x8000004A;
	s11 =	sor.u32 s11, s29;
	s15 =	sshrl.u32 s14, $0x1  }
0xc: {  	s30 =	sadd.s32 s12, s3;
	s11 =	smul.u32 $0x30D40, s11;
	s13 =	sadd.s32 s12, s9  }
0xd: {  	s9 =	sadd.s32 $0x14400, s10;
	s14 =	ssub.s32 s14, s15;
	s13 =	sshrl.u32 s13, $0x3  }
0xe: {  	v0 =	vlaneseq.u32;
	s15 =	simm.s32 $0x3;
	s13 =	sadd.s32 s13, s10;
	s10 =	sor.u32 $0x1C03, s31  }
0xf: {  	v0 =	vmul.u32 $0x8, v0;
	s12 =	sadd.s32 $0x33A400, s13;
	s13 =	smax.u32 s14, $0x1;
	s14 =	sshrl.u32 s30, $0x3  }
.LBB2_1:
0x10: {  	[spmem:s14], [sflag:s10] =	dma.local [hbm:s1], $0x186B  }
0x11: {  	_ =	swait.ge [sflag:s15], $0x186B  }
0x12: {  	[sflag:s15] =	ssyncset.done $0x0  }
0x13: {  	[sflag:s15] =	ssyncadd.s32 $0xFFFFE795  }
0x14: {  	s22 =	simm.s32 $0x0;
	[bflag:$0x0] =	sbarrier.arrive $0xFFFF  }
.LBB2_2:
0x15: {  	s23 =	smul.u32 $0x7D0, s22;
	_ =	sdelay $0x1  }
0x16: {  	s23 =	sadd.s32 s11, s23  }
0x17: {  	s24 =	sshrl.u32 s23, $0x3  }
0x18: {  	s25 =	simm.s32 $0x0;
	s23 =	sadd.s32 s5, s24  }
0x19: {  	[tilespmem:s25], [sflag:$0x3] =	stream.linear.gather [hbm4b:s23+s25], $0x7D0, $0x38;
	[tilespmem:$0x15F98] =	vst v63  }
0x1a: {  	_ =	swait.ge [sflag:s15], $0x7D0  }
0x1b: {  	[sflag:s15] =	ssyncset.done $0x0  }
0x1c: {  	s29 =	sadd.s32 s6, s24;
	[sflag:s15] =	ssyncadd.s32 $0xFFFFF830  }
0x1d: {  	[tilespmem:s16], [sflag:$0x3] =	stream.linear.gather [hbm4b:s29+s25], $0x7D0, $0x38;
	[tilespmem:$0x15F98] =	vst v63  }
0x1e: {  	_ =	swait.ge [sflag:s15], $0x7D0  }
0x1f: {  	[sflag:s15] =	ssyncset.done $0x0  }
0x20: {  	s26 =	sadd.s32 s7, s24;
	s23 =	simm.s32 $0xFA0;
	[sflag:s15] =	ssyncadd.s32 $0xFFFFF830  }
0x21: {  	[tilespmem:s23], [sflag:$0x3] =	stream.linear.gather [hbm4b:s26+s25], $0x7D0, $0x38;
	[tilespmem:$0x15F98] =	vst v63  }
0x22: {  	_ =	swait.ge [sflag:s15], $0x7D0  }
0x23: {  	[sflag:s15] =	ssyncset.done $0x0  }
0x24: {  	s30 =	sadd.s32 s8, s24;
	s24 =	simm.s32 $0x1770;
	[sflag:s15] =	ssyncadd.s32 $0xFFFFF830  }
0x25: {  	[tilespmem:s24], [sflag:$0x3] =	stream.linear.gather [hbm4b:s30+s25], $0x7D0, $0x38;
	[tilespmem:$0x15F98] =	vst v63  }
0x26: {  	_ =	swait.ge [sflag:s15], $0x7D0  }
0x27: {  	v1 =	vmov s25;
	[sflag:s15] =	ssyncset.done $0x0  }
0x28: {  	v1 =	vshll.u32 v1, $0x3;
	[sflag:s15] =	ssyncadd.s32 $0xFFFFF830  }
0x29: {  	v1 =	vor.u32 v0, v1;
	[tilespmem:s17], [sflag:$0x1] =	stream.indirect.gather [hbm4b:s9+s16], $0x8, s16, s16, $0xb8;
	[tilespmem:$0x15F98] =	vst v63  }
0x2a: {  	v3 =	vor.u32 $0x4, v1;
	_ =	swait.ge [sflag:s18], $0x3E80  }
0x2b: {  	v6 =	vor.u32 $0x5, v1;
	[sflag:s18] =	ssyncset.done $0x0  }
0x2c: {  	[sflag:s18] =	ssyncadd.s32 $0xFFFFC180  }
0x2d: {  	v4 =	vld [tilespmem:s24+$0x0]  }
0x2e: {  	v2 =	vor.u32 $0x1, v1;
	v5 =	vld [tilespmem:s23+$0x0]  }
0x2f: {  	v7 =	vld.idx.msk [tilespmem:v3+s17+$0x0], $0xffff  }
0x30: {  	v8 =	vor.u32 $0x2, v1;
	v9 =	vld.idx.msk [tilespmem:v6+s17+$0x0], $0xffff  }
0x31: {  	v10 =	vld.idx.msk [tilespmem:v1+s17+$0x0], $0xffff;
	_ =	sdelay $0x1  }
0x32: {  	v11 =	vor.u32 $0x3, v1;
	v12 =	vld.idx.msk [tilespmem:v2+s17+$0x0], $0xffff  }
0x33: {  	v13 =	vmul.f32 v5, v5;
	v14 =	vmul.f32 v4, v4  }
0x34: {  	v15 =	vld.idx.msk [tilespmem:v8+s17+$0x0], $0xffff;
	v7 =	vmul.f32 v7, v5;
	v9 =	vmul.f32 v9, v4  }
0x35: {  	v60 =	vmul.f32 v10, v5;
	v13 =	vadd.f32 v14, v13  }
0x36: {  	v16 =	vmul.f32 v10, v4;
	v7 =	vadd.f32 v9, v7  }
0x37: {  	v17 =	vld.idx.msk [tilespmem:v11+s17+$0x0], $0xffff;
	[tilespmem:v1+s19+$0x0] =	vst.idx.msk $0xffff, v60;
	v61 =	vmul.f32 v13, v12  }
0x38: {  	[tilespmem:v2+s19+$0x0] =	vst.idx.msk $0xffff, v16;
	v2 =	vmul.f32 v7, v10  }
0x39: {  	v7 =	vmul.f32 v15, v5;
	[tilespmem:v8+s19+$0x0] =	vst.idx.msk $0xffff, v61  }
0x3a: {  	s31 =	simm.s32 $0x10;
	[tilespmem:v11+s19+$0x0] =	vst.idx.msk $0xffff, v2;
	v2 =	vor.u32 $0x6, v1  }
0x3b: {  	v63 =	vmov s31;
	v62 =	vmul.f32 v15, v4;
	[tilespmem:v3+s19+$0x0] =	vst.idx.msk $0xffff, v7;
	v3 =	vor.u32 $0x7, v1  }
0x3c: {  	v4 =	vmul.f32 v17, v4;
	v9 =	vshll.u32 v63, $0x3  }
0x3d: {  	s25 =	simm.s32 $0x20;
	v5 =	vmul.f32 v17, v5;
	v1 =	vor.u32 v0, v9;
	[tilespmem:v6+s19+$0x0] =	vst.idx.msk $0xffff, v62  }
.LBB2_3:
0x3e: {  	s23 =	sadd.s32 $0x10, s23  }
0x3f: {  	v6 =	vor.u32 $0x4, v1;
	v7 =	vor.u32 $0x5, v1;
	[tilespmem:v2+s19+$0x0] =	vst.idx.msk $0xffff, v5;
	s24 =	sadd.s32 $0x10, s24;
	s26 =	smov.u32 s25;
	s28 =	sadd.s32 $0x10, s25  }
0x40: {  	p0 =	sne.s32 s25, $0x7C0;
	[tilespmem:v3+s19+$0x0] =	vst.idx.msk $0xffff, v4  }
0x41: {  	v4 =	vld [tilespmem:s24+$0x0]  }
0x42: {  	v2 =	vor.u32 $0x1, v1;
	v5 =	vld [tilespmem:s23+$0x0]  }
0x43: {  	v3 =	vld.idx.msk [tilespmem:v1+s17+$0x0], $0xffff  }
0x44: {  	v8 =	vor.u32 $0x2, v1;
	v9 =	vld.idx.msk [tilespmem:v6+s17+$0x0], $0xffff  }
0x45: {  	v10 =	vld.idx.msk [tilespmem:v7+s17+$0x0], $0xffff  }
0x46: {  	v11 =	vor.u32 $0x3, v1  }
0x47: {  	v14 =	vmul.f32 v4, v4;
	v12 =	vld.idx.msk [tilespmem:v2+s17+$0x0], $0xffff;
	v13 =	vmul.f32 v5, v5;
	_ =	sdelay $0x1  }
0x48: {  	v16 =	vmul.f32 v3, v4;
	v15 =	vld.idx.msk [tilespmem:v8+s17+$0x0], $0xffff;
	v13 =	vadd.f32 v14, v13;
	v14 =	vmul.f32 v3, v5  }
0x49: {  	v9 =	vmul.f32 v9, v5  }
0x4a: {  	v10 =	vmul.f32 v10, v4;
	v17 =	vld.idx.msk [tilespmem:v11+s17+$0x0], $0xffff;
	_ =	sdelay $0x1  }
0x4b: {  	v12 =	vmul.f32 v13, v12;
	v9 =	vadd.f32 v10, v9;
	[tilespmem:v1+s19+$0x0] =	vst.idx.msk $0xffff, v14  }
0x4c: {  	[tilespmem:v2+s19+$0x0] =	vst.idx.msk $0xffff, v16;
	v2 =	vor.u32 $0x6, v1  }
.Ltmp0:
0x4d: {  	[tilespmem:v8+s19+$0x0] =	vst.idx.msk $0xffff, v12;
	v8 =	vmul.f32 v9, v3;
	v9 =	vmul.f32 v15, v5;
	v3 =	vor.u32 $0x7, v1;
	(pc) =	sbr.rel @p0 .LBB2_3-.Ltmp0, $4  }
0x4e: {  	v10 =	vmul.f32 v15, v4  }
0x4f: {  	v1 =	vmov s26;
	v5 =	vmul.f32 v17, v5;
	v4 =	vmul.f32 v17, v4;
	[tilespmem:v11+s19+$0x0] =	vst.idx.msk $0xffff, v8  }
0x50: {  	v1 =	vshll.u32 v1, $0x3;
	[tilespmem:v6+s19+$0x0] =	vst.idx.msk $0xffff, v9  }
0x51: {  	s25 =	smov.u32 s28;
	v1 =	vor.u32 v0, v1;
	[tilespmem:v7+s19+$0x0] =	vst.idx.msk $0xffff, v10  }
0x52: {  	_ =	sdelay $0x2  }
0x53: {  	v6 =	vor.u32 $0x4, v1  }
0x54: {  	v7 =	vor.u32 $0x5, v1;
	[tilespmem:v2+s19+$0x0] =	vst.idx.msk $0xffff, v5  }
0x55: {  	s24 =	sadd.s32 $0x10, s24;
	[tilespmem:v3+s19+$0x0] =	vst.idx.msk $0xffff, v4  }
0x56: {  	s23 =	sadd.s32 $0x10, s23;
	v2 =	vld [tilespmem:s24+$0x0]  }
0x57: {  	v58 =	vor.u32 $0x1, v1;
	v3 =	vld [tilespmem:s23+$0x0]  }
0x58: {  	v5 =	vld.idx.msk [tilespmem:v6+s17+$0x0], $0xffff  }
0x59: {  	v8 =	vor.u32 $0x2, v1;
	v9 =	vld.idx.msk [tilespmem:v7+s17+$0x0], $0xffff  }
0x5a: {  	v10 =	vld.idx.msk [tilespmem:v1+s17+$0x0], $0xffff  }
0x5b: {  	v11 =	vor.u32 $0x3, v1  }
0x5c: {  	v12 =	vld.idx.msk [tilespmem:v58+s17+$0x0], $0xffff  }
0x5d: {  	v13 =	vmul.f32 v3, v3;
	v14 =	vmul.f32 v2, v2  }
0x5e: {  	v15 =	vld.idx.msk [tilespmem:v8+s17+$0x0], $0xffff;
	v5 =	vmul.f32 v5, v3;
	v9 =	vmul.f32 v9, v2  }
0x5f: {  	v59 =	vmul.f32 v10, v3;
	v13 =	vadd.f32 v14, v13  }
0x60: {  	v17 =	vld.idx.msk [tilespmem:v11+s17+$0x0], $0xffff;
	v16 =	vmul.f32 v10, v2;
	v5 =	vadd.f32 v9, v5  }
0x61: {  	[tilespmem:v1+s19+$0x0] =	vst.idx.msk $0xffff, v59;
	v60 =	vmul.f32 v13, v12  }
0x62: {  	v61 =	vor.u32 $0x6, v1;
	[tilespmem:v58+s19+$0x0] =	vst.idx.msk $0xffff, v16;
	v5 =	vmul.f32 v5, v10  }
0x63: {  	v1 =	vor.u32 $0x7, v1;
	v62 =	vmul.f32 v15, v3;
	[tilespmem:v8+s19+$0x0] =	vst.idx.msk $0xffff, v60  }
0x64: {  	v63 =	vmul.f32 v15, v2;
	[tilespmem:v11+s19+$0x0] =	vst.idx.msk $0xffff, v5  }
0x65: {  	v3 =	vmul.f32 v17, v3;
	[tilespmem:v6+s19+$0x0] =	vst.idx.msk $0xffff, v62  }
0x66: {  	s22 =	sadd.s32 $0x1, s22;
	v2 =	vmul.f32 v17, v2;
	[tilespmem:v7+s19+$0x0] =	vst.idx.msk $0xffff, v63  }
0x67: {  	p0 =	sne.s32 s22, $0x64;
	[tilespmem:v61+s19+$0x0] =	vst.idx.msk $0xffff, v3  }
.Ltmp1:
0x68: {  	[tilespmem:v1+s19+$0x0] =	vst.idx.msk $0xffff, v2;
	(pc) =	sbr.rel @p0 .LBB2_2-.Ltmp1, $4  }
0x69: {  	[spmem:s3] =	stream.indirect.scatter.add.f32 [tilespmem:s19], [sflag:$0x2], $0x8, s4, s16, $0xb8;
	[tilespmem:$0x15F98] =	vst v63  }
0x6a: {  	_ =	swait.ge [sflag:s20], $0x3E80  }
0x6b: {  	[sflag:s20] =	ssyncset.done $0x0  }
0x6c: {  	[sflag:s20] =	ssyncadd.s32 $0xFFFFC180  }
0x6d: {  	s21 =	sadd.s32 $0x1, s21  }
0x6e: {  	p0 =	sne.s32 s21, s13  }
.Ltmp2:
0x6f: {  	[bflag:$0x0] =	sbarrier.arrive $0xFFFF;
	(pc) =	sbr.rel @p0 .LBB2_1-.Ltmp2, $4  }
0x70: {  	[hbm:s12], [sflag:s10] =	dma.local [spmem:s14], $0x186B  }
0x71: {  	_ =	swait.ge [sflag:s15], $0x186B  }
0x72: {  	[sflag:s15] =	ssyncset.done $0x0  }
0x73: {  	[sflag:s15] =	ssyncadd.s32 $0xFFFFE795  }
0x74: {  	_ =	sfence.sel $0x180000  }
0x75: {  	[bflag:$0x0] =	sbarrier.arrive $0xFFFF  }
0x76: {  	p0 =	sne.s32 s2, $0x0;
	_ =	strace $0x9000004A  }
0x77: {  	s0 =	sadd.s32 @!p0 $0x100000, s0;
	[bflag:$0x2] =	sbarrier.arrive $0xFFFF  }
0x78: {  	[sflag:s0] =	ssyncadd.tile.s32 @!p0 $0x1;
	_ =	shalt  }
.Lfunc_end2:
_tile_overlayer_lowered:
.L_overlay_start_2:
0x79: {  	(tag) =	ssettag $0x2  }
0x7a: {  	s0 =	rddreg [dreg:$0x0];
	s2 =	stileid.u32  }
0x7b: {  	s1 =	rddreg [dreg:$0x1];
	p0 =	sne.s32 s2, $0x0  }
0x7c: {  	s3 =	rddreg [dreg:$0x2];
	[bflag:$0x3] =	sbarrier.arrive $0xFFFF;
	s2 =	simm.s32 @!p0 $0x1C03  }
0x7d: {  	[timem:s3], [sflag:s2] =	dma.local @!p0 [hbm:s0], s1  }
0x7e: {  	s0 =	simm.s32 @!p0 $0x3  }
0x7f: {  	_ =	swait.ge @!p0 [sflag:s0], s1  }
0x80: {  	s1 =	ssub.s32 @!p0 $0x0, s1;
	[sflag:s0] =	ssyncset.done @!p0 $0x0  }
0x81: {  	[sflag:s0] =	ssyncadd.s32 @!p0 s1  }
0x82: {  	[bflag:$0x3] =	sbarrier.arrive $0xFFFF  }
0x83: {  	_ =	shalt  }

// kernel: kernel.13.cloned.1.call-start
scs
__scs_entry_jumppad:
0x0: {  	(pc) =	sbr.rel $0x88, $3  }
0x1: {  	(tag) =	ssettag $0x0;
	lr =	simm.s32 $0x1  }
0x2: {  	[smem:$0x3F98] =	sst lr;
	_ =	strace $0xD0000000  }
0x3: {  	_ = 	snop  }
0x4: {  	_ = 	snop  }
0x5: {  	_ = 	snop  }
0x6: {  	_ = 	snop  }
0x7: {  	_ = 	snop  }
__scs_overlays_trampoline_lowered:
0x8: {  	[smem:$0x3FA7] =	sst s0  }
0x9: {  	[smem:$0x3FA8] =	sst s1  }
0xa: {  	[smem:$0x3FA9] =	sst s2  }
0xb: {  	[smem:$0x3FAA] =	sst s3  }
0xc: {  	[smem:$0x3FAB] =	sst s4  }
0xd: {  	[smem:$0x3FAC] =	sst s5  }
0xe: {  	[smem:$0x3FAD] =	sst s6  }
0xf: {  	[smem:$0x3FAE] =	sst s7  }
0x10: {  	[smem:$0x3FAF] =	sst s8  }
0x11: {  	[smem:$0x3FB0] =	sst s9;
	s0 =	simm.s32 @!p0 $0x0  }
0x12: {  	s1 =	sld [smem:$0x3F96];
	s0 =	simm.s32 @p0 $0x1  }
0x13: {  	[smem:$0x3FB1] =	sst s0;
	s0 =	simm.s32 @!p1 $0x0  }
0x14: {  	s2 =	sld [smem:$0x3F95];
	s0 =	simm.s32 @p1 $0x1  }
0x15: {  	[smem:$0x3FB2] =	sst s0;
	s0 =	simm.s32 @!p2 $0x0  }
0x16: {  	s3 =	sld [smem:$0x3FDB];
	s0 =	simm.s32 @p2 $0x1  }
0x17: {  	s4 =	simm.s32 $0x1BF5;
	[smem:$0x3FB4] =	sst s0  }
0x18: {  	s0 =	sld [smem:$0x3F97];
	_ =	swait.ge [sflag:s4], $0x0  }
0x19: {  	s7 =	sld [smem:$0x3F98]  }
0x1a: {  	s8 =	sadd.s32 $0xFFFFE003, lr  }
0x1b: {  	s9 =	sadd.s32 $0xFFFFFEF7, lr;
	s5 =	simm.s32 $0xFFFFFFFF;
	p2 =	slt.u32 s8, $0xFFFFF086  }
0x1c: {  	p1 =	slt.u32 s9, $0xF7A;
	s5 =	simm.s32 @!p2 $0x0  }
0x1d: {  	s5 =	simm.s32 @p1 $0x1;
	p0 =	seq.s32 s7, s2  }
0x1e: {  	s7 =	smul.u32 @!p0 $0xF7A, s2;
	p2 =	seq.s32 @!p0 s5, $0x0  }
0x1f: {  	s9 =	smul.u32 $0xF7A, s1;
	s8 =	simm.s32 @!p0 $0x1BF5;
	p2 =	por !p2, p0  }
0x20: {  	[sflag:s8] =	ssyncset.s32 @!p0 $0xFFFFF086;
	s6 =	sadd.s32 @!p0 s3, s7;
	s7 =	simm.s32 @!p0 $0x108  }
0x21: {  	s3 =	sadd.s32 s3, s9;
	s6 =	sadd.s32 @!p0 $0x88, s6;
	s7 =	simm.s32 @p2 $0x1082  }
0x22: {  	[simem:s7], [sflag:s8] =	dma.local @!p0 [hbm:s6], $0xF7A  }
0x23: {  	s9 =	sor.u32 $0xD0000000, s2;
	s6 =	simm.s32 $0x108;
	_ =	swait.ge @!p0 [sflag:s8], $0x0  }
0x24: {  	s3 =	sadd.s32 $0x88, s3;
	s6 =	simm.s32 @!p1 $0x1082;
	[sflag:s4] =	ssyncset.s32 $0xFFFFF086  }
0x25: {  	[simem:s6], [sflag:s4] =	dma.local [hbm:s3], $0xF7A  }
0x26: {  	[smem:$0x3F98] =	sst s1;
	(tag) =	ssettag s2;
	_ =	strace s9  }
0x27: {  	s1 =	sld [smem:$0x3FA8]  }
0x28: {  	s2 =	sld [smem:$0x3FA9]  }
0x29: {  	s4 =	sld [smem:$0x3FAB]  }
0x2a: {  	p0 =	seq.s32 s5, $0x0;
	s5 =	sld [smem:$0x3FAC]  }
0x2b: {  	s6 =	sld [smem:$0x3FAD]  }
0x2c: {  	s7 =	sld [smem:$0x3FAE]  }
0x2d: {  	s3 =	simm.s32 $0x108;
	s8 =	sld [smem:$0x3FAF]  }
0x2e: {  	s3 =	simm.s32 @!p0 $0x1082;
	s9 =	sld [smem:$0x3FB0]  }
0x2f: {  	lr =	sadd.s32 s0, s3;
	s0 =	sld [smem:$0x3FA7]  }
0x30: {  	s3 =	sld [smem:$0x3FAA]  }
0x31: {  	[smem:$0x3FB3] =	sst s10  }
0x32: {  	s10 =	sld [smem:$0x3FB1];
	_ =	sdelay $0x3  }
0x33: {  	p0 =	seq.s32 s10, $0x1;
	s10 =	sld [smem:$0x3FB3];
	_ =	sdelay $0x3  }
0x34: {  	[smem:$0x3FB3] =	sst s10  }
0x35: {  	s10 =	sld [smem:$0x3FB2];
	_ =	sdelay $0x3  }
0x36: {  	p1 =	seq.s32 s10, $0x1;
	s10 =	sld [smem:$0x3FB3];
	_ =	sdelay $0x3  }
0x37: {  	[smem:$0x3FB3] =	sst s10  }
0x38: {  	s10 =	sld [smem:$0x3FB4]  }
0x39: {  	_ = 	snop;
	(pc) =	sbr.ind lr, $3  }
0x3a: {  	_ = 	snop  }
0x3b: {  	_ = 	snop  }
0x3c: {  	p2 =	seq.s32 s10, $0x1;
	s10 =	sld [smem:$0x3FB3]  }
0x3d: {  	_ =	shalt  }
0x3e: {  	_ =	shalt  }
0x3f: {  	_ =	shalt  }
0x40: {  	_ =	shalt  }
0x41: {  	_ =	shalt  }
0x42: {  	_ =	shalt  }
0x43: {  	_ =	shalt  }
0x44: {  	_ =	shalt  }
0x45: {  	_ =	shalt  }
0x46: {  	_ =	shalt  }
0x47: {  	_ =	shalt  }
0x48: {  	_ =	shalt  }
0x49: {  	_ =	shalt  }
0x4a: {  	_ =	shalt  }
0x4b: {  	_ =	shalt  }
0x4c: {  	_ =	shalt  }
0x4d: {  	_ =	shalt  }
0x4e: {  	_ =	shalt  }
0x4f: {  	_ =	shalt  }
0x50: {  	_ =	shalt  }
0x51: {  	_ =	shalt  }
0x52: {  	_ =	shalt  }
0x53: {  	_ =	shalt  }
0x54: {  	_ =	shalt  }
0x55: {  	_ =	shalt  }
0x56: {  	_ =	shalt  }
0x57: {  	_ =	shalt  }
0x58: {  	_ =	shalt  }
0x59: {  	_ =	shalt  }
0x5a: {  	_ =	shalt  }
0x5b: {  	_ =	shalt  }
0x5c: {  	_ =	shalt  }
0x5d: {  	_ =	shalt  }
0x5e: {  	_ =	shalt  }
0x5f: {  	_ =	shalt  }
0x60: {  	_ =	shalt  }
0x61: {  	_ =	shalt  }
0x62: {  	_ =	shalt  }
0x63: {  	_ =	shalt  }
0x64: {  	_ =	shalt  }
0x65: {  	_ =	shalt  }
0x66: {  	_ =	shalt  }
0x67: {  	_ =	shalt  }
0x68: {  	_ =	shalt  }
0x69: {  	_ =	shalt  }
0x6a: {  	_ =	shalt  }
0x6b: {  	_ =	shalt  }
0x6c: {  	_ =	shalt  }
0x6d: {  	_ =	shalt  }
0x6e: {  	_ =	shalt  }
0x6f: {  	_ =	shalt  }
0x70: {  	_ =	shalt  }
0x71: {  	_ =	shalt  }
0x72: {  	_ =	shalt  }
0x73: {  	_ =	shalt  }
0x74: {  	_ =	shalt  }
0x75: {  	_ =	shalt  }
0x76: {  	_ =	shalt  }
0x77: {  	_ =	shalt  }
0x78: {  	_ =	shalt  }
0x79: {  	_ =	shalt  }
0x7a: {  	_ =	shalt  }
0x7b: {  	_ =	shalt  }
0x7c: {  	_ =	shalt  }
0x7d: {  	_ =	shalt  }
0x7e: {  	_ =	shalt  }
0x7f: {  	_ =	shalt  }
0x80: {  	_ =	shalt  }
0x81: {  	_ =	shalt  }
0x82: {  	_ =	shalt  }
0x83: {  	_ =	shalt  }
0x84: {  	_ =	shalt  }
0x85: {  	_ =	shalt  }
0x86: {  	_ =	shalt  }
0x87: {  	_ =	shalt  }
.Lfunc_end0:
.L_simem_size_0:
called_computation.2_lowered:
.L_overlay_start_0:
0x88: {  	s2 =	sld [smem:$0x3FD9]  }
0x89: {  	s3 =	sld [smem:$0x3FFE];
	_ =	sdelay $0x1  }
0x8a: {  	s1 =	srdreg.scid  }
0x8b: {  	s0 =	sand.u32 $0x1, s1  }
0x8c: {  	s14 =	sshll.u32 s0, $0xA;
	s2 =	sadd.s32 s3, s2  }
0x8d: {  	s2 =	sadd.s32 s2, s14  }
0x8e: {  	[smem:$0x3FBF] =	sst s2  }
0x8f: {  	_ = 	snop  }
0x90: {  	s2 =	sld [smem:$0x3FD0];
	_ =	sdelay $0x2  }
0x91: {  	s15 =	simm.s32 $0xA;
	s4 =	simm.s32 $0x10  }
0x92: {  	[smem:s4], [sflag:s15] =	dma.local [hbm:s2], $0x1  }
0x93: {  	_ =	swait.eq [sflag:s15], $0x1  }
0x94: {  	s16 =	sld [smem:$0x10];
	[sflag:s15] =	ssyncset.done $0x0  }
0x95: {  	s17 =	sld [smem:$0x11];
	[sflag:s15] =	ssyncadd.s32 $0xFFFFFFFF  }
0x96: {  	s18 =	sld [smem:$0x12];
	(tm) =	ssettm $0x1  }
0x97: {  	s5 =	sld [smem:$0x3FFB];
	_ =	sdelay $0x3  }
0x98: {  	_ =	strace s5  }
0x99: {  	s5 =	sld [smem:$0x3FFC];
	_ =	sdelay $0x3  }
0x9a: {  	_ =	strace s5  }
0x9b: {  	s5 =	sld [smem:$0x3FFD];
	_ =	sdelay $0x3  }
0x9c: {  	_ =	strace s5  }
0x9d: {  	_ =	strace $0x8FFFFFFF  }
0x9e: {  	s19 =	sld [smem:$0x3FDB];
	_ =	sdelay $0x1  }
0x9f: {  	s6 =	simm.s32 $_scs_section_size  }
0xa0: {  	s7 =	simm.s32 $_size__tile_overlayer_lowered;
	s8 =	simm.s32 $_tile_overlayer_lowered  }
0xa1: {  	s22 =	simm.s32 $0x1BFF;
	s21 =	sshll.u32 s8, $0x1;
	s5 =	sadd.s32 s6, s19  }
0xa2: {  	s9 =	simm.s32 $0x0;
	s20 =	sshll.u32 s7, $0x1;
	s7 =	sadd.s32 s21, s5  }
0xa3: {  	[timem:s9], [sflag:s22] =	dma.local [hbm:s7], s20  }
0xa4: {  	_ =	swait.ge [sflag:s22], s20  }
0xa5: {  	s6 =	ssub.s32 $0x0, s20;
	[sflag:s22] =	ssyncset.done $0x0  }
0xa6: {  	[sflag:s22] =	ssyncadd.s32 s6;
	_ =	sdelay $0x1  }
0xa7: {  	s23 =	simm.s32 $0x1B8B  }
0xa8: {  	_ =	swait.ge [sflag:s23], $0x1  }
0xa9: {  	[sflag:s23] =	ssyncset.done $0x0  }
0xaa: {  	s25 =	simm.s32 $0x1B8E;
	s24 =	sld [smem:$0x3FFE];
	[sflag:s23] =	ssyncadd.s32 $0xFFFFFFFF  }
0xab: {  	s26 =	simm.s32 $execute0_lowered;
	[smem:$0x3FD2] =	sst s25  }
0xac: {  	s7 =	sshll.u32 s26, $0x1;
	_ =	strace $0x8000004C;
	[dreg:$0x1] =	wrdreg $0xFFFFFFFF  }
0xad: {  	s28 =	simm.s32 $_size_execute0_lowered;
	s5 =	sadd.s32 s5, s7;
	[dreg:$0x0] =	wrdreg $0x0  }
0xae: {  	s7 =	sshll.u32 s28, $0x1;
	[dreg:$0x2] =	wrdreg s5  }
0xaf: {  	[dreg:$0x3] =	wrdreg s7  }
0xb0: {  	[dreg:$0x4] =	wrdreg $0xC0  }
0xb1: {  	_ =	task [dreg:s9], $0x5FFFF  }
0xb2: {  	[dreg:$0x1] =	wrdreg $0xFFFFFFFF  }
0xb3: {  	[dreg:$0x0] =	wrdreg $0x60  }
0xb4: {  	[dreg:$0x2] =	wrdreg s24  }
0xb5: {  	[dreg:$0x3] =	wrdreg s18  }
0xb6: {  	[dreg:$0x4] =	wrdreg s16  }
0xb7: {  	[dreg:$0x5] =	wrdreg s17  }
0xb8: {  	[dreg:$0x6] =	wrdreg $0x9  }
0xb9: {  	_ =	task.clear_ibuf [dreg:s9], $0x7FFFF;
	_ =	strace $0x9000004C  }
0xba: {  	s29 =	simm.s32 $0x9;
	_ =	strace $0x8000004E  }
0xbb: {  	_ =	swait.ge [sflag:s29], $0x1  }
0xbc: {  	[sflag:s29] =	ssyncadd.s32 $0xFFFFFFFF  }
0xbd: {  	_ =	strace $0x9000004E  }
0xbe: {  	_ =	sfence  }
0xbf: {  	s30 =	sld [smem:$0x0];
	_ =	sdelay $0x2  }
0xc0: {  	s31 =	sshll.u32 s1, $0xD;
	s1 =	sshrl.u32 s1, $0x2  }
0xc1: {  	s3 =	sand.u32 $0x4000, s31;
	s1 =	sadd.s32 s1, s30  }
0xc2: {  	s0 =	sor.u32 s3, s0;
	s1 =	sshll.u32 s1, $0x11  }
0xc3: {  	s0 =	sor.u32 s1, s0  }
0xc4: {  	s0 =	sadd.s32 $0x8F2B, s0  }
0xc5: {  	[sflag:s0] =	ssyncadd.remote.s32 $0x1  }
0xc6: {  	_ =	sfence.sel $0xFFFF  }
0xc7: {  	[dreg:$0x0] =	wrdreg $0xFFFFFFFF;
	(pc) =	sbr.abs _section_cstart, $3  }
0xc8: {  	[dreg:$0x1] =	wrdreg $0xFFFFFFFF  }
0xc9: {  	_ =	task.clear_ibuf [dreg:s9], $0x2FFFF;
	_ =	strace $0x9FFFFFFF  }
0xca: {  	(tm) =	ssettm $0x7FFFFFFF  }
0xcb: {  	_ =	shalt  }
tec
execute0_lowered:
.L_overlay_start_1:
0x0: {  	(tag) =	ssettag $0x1  }
0x1: {  	s0 =	rddreg [dreg:$0x0]  }
0x2: {  	s1 =	srdreg.scid;
	s10 =	rddreg [dreg:$0x1]  }
0x3: {  	s19 =	stileid.u32;
	s12 =	rddreg [dreg:$0x2]  }
0x4: {  	s13 =	rddreg [dreg:$0x3];
	s17 =	simm.s32 $0x1;
	s18 =	simm.s32 $0x6200  }
0x5: {  	s21 =	simm.s32 $0xDC80;
	s22 =	simm.s32 $0xE8C0;
	s23 =	simm.s32 $0xF500  }
0x6: {  	s24 =	simm.s32 $0x10140;
	s25 =	simm.s32 $0x10D80;
	s26 =	simm.s32 $0x119C0  }
0x7: {  	s28 =	simm.s32 $0x12600;
	s1 =	sand.u32 $0x1, s1;
	s2 =	sshll.u32 s19, $0x1  }
0x8: {  	s29 =	simm.s32 $0x13240;
	s30 =	simm.s32 $0x13E80;
	s3 =	sor.u32 s1, s2  }
0x9: {  	s31 =	simm.s32 $0x0;
	p0 =	slt.u32 s19, $0x5;
	s4 =	smul.u32 $0xC30, s3  }
0xa: {  	s5 =	sadd.s32 $0x33A400, s0;
	s1 =	ssub.s32 $0x2, s1;
	s3 =	smul.u32 $0xC40, s3  }
0xb: {  	s2 =	simm.s32 $0x0;
	s6 =	sshrl.u32 s1, $0x1;
	s4 =	sadd.s32 $0xA0, s4  }
0xc: {  	[smem:$0x7FF] =	sst s2;
	s1 =	ssub.s32 s1, s6;
	s4 =	smov.u32 @p0 s3  }
0xd: {  	_ =	strace $0x8000004D;
	s16 =	smax.u32 s1, $0x1;
	s14 =	sshrl.u32 s4, $0x3  }
0xe: {  	v0 =	vlaneseq.u32;
	p0 =	sgt.u32 s19, $0x4;
	s3 =	sadd.s32 $0x186B0, s4;
	s0 =	sadd.s32 s14, s0  }
.Ltmp0:
0xf: {  	v0 =	vmul.u32 $0x8, v0;
	s7 =	sand.u32 $0x1FFFFFF0, s3;
	s3 =	sadd.s32 s5, s4;
	(pc) =	sbr.rel .LBB2_1-.Ltmp0, $4  }
0x10: {  	s10 =	sadd.s32 s10, s14;
	s12 =	sadd.s32 s12, s14;
	s13 =	sadd.s32 s13, s14  }
0x11: {  	v1 =	vor.u32 $0x6180, v0;
	v2 =	vor.u32 $0x6181, v0;
	s4 =	sadd.s32 s5, s7;
	s5 =	sadd.s32 $0x1800, s0;
	s6 =	sadd.s32 $0x4A00, s0  }
0x12: {  	v3 =	vor.u32 $0x6182, v0;
	v4 =	vor.u32 $0x6183, v0;
	v5 =	vor.u32 $0x6184, v0;
	s7 =	sadd.s32 $0x7C00, s0;
	s8 =	sadd.s32 $0xAE00, s0;
	s9 =	sadd.s32 $0xE000, s0  }
0x13: {  	v6 =	vor.u32 $0x6185, v0;
	v7 =	vor.u32 $0x6186, v0;
	v8 =	vor.u32 $0x6187, v0;
	s11 =	sadd.s32 $0x11200, s0;
	s14 =	sadd.s32 $0x14400, s0;
	s15 =	sadd.s32 $0x17600, s0  }
.LBB2_5:
0x14: {  	[hbm4b:s12+s2] =	stream.linear.scatter [tilespmem:s26], [sflag:$0x1], $0xC30, $0x38;
	[tilespmem:$0x14AC0] =	vst v63  }
0x15: {  	_ =	swait.ge [sflag:s17], $0xC30  }
0x16: {  	[sflag:s17] =	ssyncset.done $0x0  }
0x17: {  	[sflag:s17] =	ssyncadd.s32 $0xFFFFF3D0  }
0x18: {  	[hbm4b:s13+s2] =	stream.linear.scatter [tilespmem:s28], [sflag:$0x1], $0xC30, $0x38;
	[tilespmem:$0x14AC0] =	vst v63  }
0x19: {  	_ =	swait.ge [sflag:s17], $0xC30  }
0x1a: {  	[sflag:s17] =	ssyncset.done $0x0  }
0x1b: {  	[sflag:s17] =	ssyncadd.s32 $0xFFFFF3D0  }
0x1c: {  	[hbm4b:s14+s2] =	stream.linear.scatter [tilespmem:s29], [sflag:$0x1], $0xC30, $0x38;
	[tilespmem:$0x14AC0] =	vst v63  }
0x1d: {  	_ =	swait.ge [sflag:s17], $0xC30  }
0x1e: {  	[sflag:s17] =	ssyncset.done $0x0  }
0x1f: {  	[sflag:s17] =	ssyncadd.s32 $0xFFFFF3D0  }
0x20: {  	[hbm4b:s15+s2] =	stream.linear.scatter [tilespmem:s30], [sflag:$0x1], $0xC30, $0x38;
	[tilespmem:$0x14AC0] =	vst v63  }
0x21: {  	_ =	swait.ge [sflag:s17], $0xC30  }
0x22: {  	[sflag:s17] =	ssyncset.done $0x0  }
0x23: {  	[sflag:s17] =	ssyncadd.s32 $0xFFFFF3D0  }
.LBB2_6:
0x24: {  	s31 =	sadd.s32 $0x1, s31  }
0x25: {  	p1 =	sne.s32 s31, s16  }
.Ltmp1:
0x26: {  	_ = 	snop;
	(pc) =	sbr.rel @!p1 .LBB2_7-.Ltmp1, $1  }
0x27: {  	_ =	sdelay $0x3  }
.LBB2_1:
0x28: {  	[tilespmem:s2], [sflag:$0x1] =	stream.linear.gather [hbm4b:s3+s2], $0x6200, $0x38;
	[tilespmem:$0x14AC0] =	vst v63  }
0x29: {  	_ =	swait.ge [sflag:s17], $0x6200  }
0x2a: {  	[sflag:s17] =	ssyncset.done $0x0  }
0x2b: {  	[sflag:s17] =	ssyncadd.s32 $0xFFFF9E00  }
0x2c: {  	[tilespmem:s18], [sflag:$0x1] =	stream.linear.gather [hbm4b:s4+s2], $0x6200, $0x38;
	[tilespmem:$0x14AC0] =	vst v63  }
0x2d: {  	_ =	swait.ge [sflag:s17], $0x6200  }
0x2e: {  	[sflag:s17] =	ssyncset.done $0x0  }
0x2f: {  	s0 =	simm.s32 $0xC400;
	[sflag:s17] =	ssyncadd.s32 $0xFFFF9E00  }
0x30: {  	[tilespmem:s0], [sflag:$0x1] =	stream.linear.gather [hbm4b:s5+s2], $0xC40, $0x38;
	[tilespmem:$0x14AC0] =	vst v63  }
0x31: {  	_ =	swait.ge [sflag:s17], $0xC40  }
0x32: {  	[sflag:s17] =	ssyncset.done $0x0  }
0x33: {  	s20 =	simm.s32 $0xD040;
	[sflag:s17] =	ssyncadd.s32 $0xFFFFF3C0  }
0x34: {  	[tilespmem:s20], [sflag:$0x1] =	stream.linear.gather [hbm4b:s6+s2], $0xC40, $0x38;
	[tilespmem:$0x14AC0] =	vst v63  }
0x35: {  	_ =	swait.ge [sflag:s17], $0xC40  }
0x36: {  	[sflag:s17] =	ssyncset.done $0x0  }
0x37: {  	[sflag:s17] =	ssyncadd.s32 $0xFFFFF3C0  }
0x38: {  	[tilespmem:s21], [sflag:$0x1] =	stream.linear.gather [hbm4b:s7+s2], $0xC40, $0x38;
	[tilespmem:$0x14AC0] =	vst v63  }
0x39: {  	_ =	swait.ge [sflag:s17], $0xC40  }
0x3a: {  	[sflag:s17] =	ssyncset.done $0x0  }
0x3b: {  	[sflag:s17] =	ssyncadd.s32 $0xFFFFF3C0  }
0x3c: {  	[tilespmem:s22], [sflag:$0x1] =	stream.linear.gather [hbm4b:s8+s2], $0xC40, $0x38;
	[tilespmem:$0x14AC0] =	vst v63  }
0x3d: {  	_ =	swait.ge [sflag:s17], $0xC40  }
0x3e: {  	[sflag:s17] =	ssyncset.done $0x0  }
0x3f: {  	[sflag:s17] =	ssyncadd.s32 $0xFFFFF3C0  }
0x40: {  	[tilespmem:s23], [sflag:$0x1] =	stream.linear.gather [hbm4b:s9+s2], $0xC40, $0x38;
	[tilespmem:$0x14AC0] =	vst v63  }
0x41: {  	_ =	swait.ge [sflag:s17], $0xC40  }
0x42: {  	[sflag:s17] =	ssyncset.done $0x0  }
0x43: {  	[sflag:s17] =	ssyncadd.s32 $0xFFFFF3C0  }
0x44: {  	[tilespmem:s24], [sflag:$0x1] =	stream.linear.gather [hbm4b:s10+s2], $0xC40, $0x38;
	[tilespmem:$0x14AC0] =	vst v63  }
0x45: {  	_ =	swait.ge [sflag:s17], $0xC40  }
0x46: {  	[sflag:s17] =	ssyncset.done $0x0  }
0x47: {  	[sflag:s17] =	ssyncadd.s32 $0xFFFFF3C0  }
0x48: {  	[tilespmem:s25], [sflag:$0x1] =	stream.linear.gather [hbm4b:s11+s2], $0xC40, $0x38;
	[tilespmem:$0x14AC0] =	vst v63  }
0x49: {  	_ =	swait.ge [sflag:s17], $0xC40  }
0x4a: {  	[sflag:s17] =	ssyncset.done $0x0  }
0x4b: {  	s1 =	simm.s32 $0x0;
	[sflag:s17] =	ssyncadd.s32 $0xFFFFF3C0  }
0x4c: {  	v13 =	vld [tilespmem:s1+$0xC400]  }
0x4d: {  	v15 =	vld [tilespmem:s1+$0xD040]  }
0x4e: {  	v9 =	vmov s2  }
0x4f: {  	v10 =	vshll.u32 v9, $0x3  }
0x50: {  	v12 =	vor.u32 v0, v10  }
0x51: {  	v14 =	vor.u32 $0x6, v12;
	v9 =	vld [tilespmem:s1+$0xF500]  }
0x52: {  	v16 =	vor.u32 $0x7, v12;
	v20 =	vld [tilespmem:s1+$0x10140];
	v13 =	vmul.f32 v15, v13  }
0x53: {  	v18 =	vld [tilespmem:s1+$0xDC80]  }
0x54: {  	v19 =	vld [tilespmem:s1+$0xE8C0];
	(erf) = vrcp.f32 v13  }
0x55: {  	v22 =	vor.u32 $0x2, v12;
	v23 =	vld [tilespmem:s1+$0x10D80]  }
0x56: {  	v10 =	vld.idx.msk [tilespmem:v14+s18+$0x0], $0xffff  }
0x57: {  	v21 =	vor.u32 $0x1, v12;
	v11 =	vld.idx.msk [tilespmem:v16+s18+$0x0], $0xffff  }
0x58: {  	v25 =	vld.idx.msk [tilespmem:v12+s2+$0x0], $0xffff  }
0x59: {  	v17 =	vor.u32 $0x5, v12;
	v26 =	vld.idx.msk [tilespmem:v12+s18+$0x0], $0xffff;
	v15 =	vmul.f32 v19, v15  }
0x5a: {  	v28 =	vld.idx.msk [tilespmem:v22+s2+$0x0], $0xffff  }
0x5b: {  	v30 =	vld.idx.msk [tilespmem:v22+s18+$0x0], $0xffff;
	v22 =	vmul.f32 v15, v15  }
0x5c: {  	v27 =	vld.idx.msk [tilespmem:v21+s2+$0x0], $0xffff  }
0x5d: {  	v29 =	vor.u32 $0x3, v12;
	v21 =	vld.idx.msk [tilespmem:v21+s18+$0x0], $0xffff;
	v15 =	vmul.f32 $-3.999999990e-06, v18;
	v18 =	vpop (erf);
	(erf) = vrcp.f32 v22  }
0x5e: {  	v24 =	vld.idx.msk [tilespmem:v17+s18+$0x0], $0xffff;
	v13 =	vor.u32 $0x4, v12  }
0x5f: {  	v17 =	vld.idx.msk [tilespmem:v17+s2+$0x0], $0xffff  }
0x60: {  	v19 =	vld.idx.msk [tilespmem:v16+s2+$0x0], $0xffff  }
0x61: {  	v25 =	vadd.f32 v26, v25;
	v16 =	vld.idx.msk [tilespmem:v14+s2+$0x0], $0xffff  }
0x62: {  	v26 =	vadd.f32 v21, v27;
	v21 =	vld.idx.msk [tilespmem:v29+s2+$0x0], $0xffff  }
0x63: {  	v20 =	vmul.f32 v20, v25;
	v12 =	vld.idx.msk [tilespmem:v13+s2+$0x0], $0xffff  }
0x64: {  	v17 =	vadd.f32 v24, v17;
	v23 =	vmul.f32 v23, v26;
	v13 =	vld.idx.msk [tilespmem:v13+s18+$0x0], $0xffff;
	v22 =	vmul.f32 v25, v25  }
0x65: {  	s19 =	simm.s32 $0x10;
	s0 =	simm.s32 $0x40;
	v24 =	vadd.f32 v30, v28;
	v25 =	vmul.f32 v26, v26;
	v14 =	vmul.f32 v18, v15;
	v18 =	vld.idx.msk [tilespmem:v29+s18+$0x0], $0xffff  }
.LBB2_2:
0x66: {  	v26 =	vmov s19;
	p1 =	sne.s32 s0, $0x3080;
	v27 =	vpop (erf);
	s20 =	smov.u32 s0;
	s0 =	sadd.s32 $0x40, s0  }
0x67: {  	v26 =	vshll.u32 v26, $0x3;
	v15 =	vmul.f32 v15, v24;
	v24 =	vmul.f32 v27, v9  }
0x68: {  	v11 =	vadd.f32 v11, v19;
	v19 =	vadd.f32 v25, v22;
	v26 =	vor.u32 v0, v26  }
0x69: {  	s20 =	sshra.s32 s20, $0x2;
	v10 =	vadd.f32 v10, v16;
	v22 =	vor.u32 $0x1, v26;
	v25 =	vor.u32 $0x5, v26  }
0x6a: {  	v12 =	vadd.f32 v13, v12;
	v16 =	vor.u32 $0x6, v26;
	v27 =	vor.u32 $0x7, v26;
	v9 =	vld [tilespmem:s20+$0xF500]  }
0x6b: {  	v17 =	vmul.f32 v24, v17;
	v13 =	vadd.f32 v18, v21;
	v18 =	vadd.f32 v23, v20;
	v28 =	vld [tilespmem:s20+$0x10140]  }
0x6c: {  	v14 =	vmul.f32 v14, v19;
	v12 =	vmul.f32 v24, v12;
	v20 =	vld [tilespmem:s20+$0xDC80]  }
0x6d: {  	v11 =	vadd.f32 v17, v11;
	v13 =	vsub.f32 v18, v13;
	v23 =	vld [tilespmem:s20+$0x10D80]  }
0x6e: {  	v14 =	vadd.f32 v14, v15;
	v10 =	vadd.f32 v12, v10;
	v17 =	vld [tilespmem:s20+$0xC400]  }
0x6f: {  	v21 =	vor.u32 $0x3, v26;
	v13 =	vmul.f32 $-2.000000090e-03, v13;
	v12 =	vld [tilespmem:s20+$0xD040];
	[tilespmem:s1+$0x13E80] =	vst v11  }
0x70: {  	v15 =	vld [tilespmem:s20+$0xE8C0];
	[tilespmem:s1+$0x119C0] =	vst v14  }
0x71: {  	v14 =	vor.u32 $0x2, v26;
	[tilespmem:s1+$0x12600] =	vst v13  }
0x72: {  	[tilespmem:s1+$0x13240] =	vst v10;
	s1 =	smov.u32 s20  }
0x73: {  	v13 =	vor.u32 $0x4, v26;
	v10 =	vld.idx.msk [tilespmem:v16+s18+$0x0], $0xffff  }
0x74: {  	v11 =	vld.idx.msk [tilespmem:v27+s18+$0x0], $0xffff;
	v17 =	vmul.f32 v12, v17  }
0x75: {  	v24 =	vld.idx.msk [tilespmem:v25+s18+$0x0], $0xffff  }
0x76: {  	v12 =	vmul.f32 v15, v12;
	v25 =	vld.idx.msk [tilespmem:v25+s2+$0x0], $0xffff;
	(erf) = vrcp.f32 v17  }
0x77: {  	v17 =	vld.idx.msk [tilespmem:v26+s2+$0x0], $0xffff  }
0x78: {  	v12 =	vmul.f32 v12, v12;
	v18 =	vld.idx.msk [tilespmem:v26+s18+$0x0], $0xffff  }
0x79: {  	v26 =	vld.idx.msk [tilespmem:v22+s2+$0x0], $0xffff  }
0x7a: {  	v22 =	vld.idx.msk [tilespmem:v22+s18+$0x0], $0xffff;
	(erf) = vrcp.f32 v12  }
0x7b: {  	v29 =	vld.idx.msk [tilespmem:v14+s2+$0x0], $0xffff  }
0x7c: {  	v15 =	vmul.f32 $-3.999999990e-06, v20;
	v30 =	vld.idx.msk [tilespmem:v14+s18+$0x0], $0xffff  }
0x7d: {  	v12 =	vld.idx.msk [tilespmem:v13+s2+$0x0], $0xffff  }
.Ltmp2:
0x7e: {  	v20 =	vadd.f32 v18, v17;
	v13 =	vld.idx.msk [tilespmem:v13+s18+$0x0], $0xffff;
	(pc) =	sbr.rel @p1 .LBB2_2-.Ltmp2, $4  }
0x7f: {  	v19 =	vld.idx.msk [tilespmem:v27+s2+$0x0], $0xffff;
	v14 =	vpop (erf)  }
0x80: {  	v26 =	vadd.f32 v22, v26;
	v22 =	vmul.f32 v20, v20;
	v16 =	vld.idx.msk [tilespmem:v16+s2+$0x0], $0xffff;
	v14 =	vmul.f32 v14, v15  }
0x81: {  	v17 =	vadd.f32 v24, v25;
	v20 =	vmul.f32 v28, v20;
	v18 =	vld.idx.msk [tilespmem:v21+s18+$0x0], $0xffff  }
0x82: {  	s19 =	sadd.s32 $0x10, s19;
	v24 =	vadd.f32 v30, v29;
	v25 =	vmul.f32 v26, v26;
	v23 =	vmul.f32 v23, v26;
	v21 =	vld.idx.msk [tilespmem:v21+s2+$0x0], $0xffff  }
0x83: {  	v26 =	vpop (erf)  }
0x84: {  	v9 =	vmul.f32 v26, v9  }
0x85: {  	v12 =	vadd.f32 v13, v12;
	v59 =	vadd.f32 v25, v22  }
0x86: {  	v11 =	vadd.f32 v11, v19;
	v20 =	vadd.f32 v23, v20;
	v17 =	vmul.f32 v9, v17  }
0x87: {  	v15 =	vmul.f32 v15, v24;
	v60 =	vmul.f32 v14, v59;
	v18 =	vadd.f32 v18, v21  }
0x88: {  	v10 =	vadd.f32 v10, v16;
	v9 =	vmul.f32 v9, v12;
	v11 =	vadd.f32 v17, v11  }
.Ltmp3:
0x89: {  	v62 =	vadd.f32 v60, v15;
	v61 =	vsub.f32 v20, v18;
	(pc) =	sbr.rel @p0 .LBB2_5-.Ltmp3, $4  }
0x8a: {  	v9 =	vadd.f32 v9, v10;
	[tilespmem:s1+$0x13E80] =	vst v11  }
0x8b: {  	[tilespmem:s1+$0x119C0] =	vst v62;
	v63 =	vmul.f32 $-2.000000090e-03, v61  }
0x8c: {  	[tilespmem:s1+$0x13240] =	vst v9  }
0x8d: {  	[tilespmem:s1+$0x12600] =	vst v63  }
0x8e: {  	_ =	sdelay $0x3  }
0x8f: {  	v9 =	vld.idx.msk [tilespmem:v1+s2+$0x0], $0xffff  }
0x90: {  	v10 =	vld.idx.msk [tilespmem:v1+s18+$0x0], $0xffff  }
0x91: {  	v11 =	vld.idx.msk [tilespmem:v2+s2+$0x0], $0xffff  }
0x92: {  	v12 =	vld [tilespmem:$0xD030]  }
0x93: {  	v13 =	vld [tilespmem:$0xDC70]  }
0x94: {  	v14 =	vld [tilespmem:$0xF4F0]  }
0x95: {  	v15 =	vld.idx.msk [tilespmem:v2+s18+$0x0], $0xffff  }
0x96: {  	v16 =	vld.idx.msk [tilespmem:v3+s2+$0x0], $0xffff  }
0x97: {  	v17 =	vld.idx.msk [tilespmem:v3+s18+$0x0], $0xffff  }
0x98: {  	v18 =	vld.idx.msk [tilespmem:v4+s2+$0x0], $0xffff  }
0x99: {  	v19 =	vld.idx.msk [tilespmem:v4+s18+$0x0], $0xffff;
	v12 =	vmul.f32 v13, v12;
	v13 =	vmul.f32 v14, v13  }
0x9a: {  	v53 =	vld.idx.msk [tilespmem:v5+s2+$0x0], $0xffff  }
0x9b: {  	v54 =	vld.idx.msk [tilespmem:v5+s18+$0x0], $0xffff;
	v13 =	vmul.f32 v13, v13  }
0x9c: {  	v20 =	vld [tilespmem:$0xE8B0];
	(erf) = vrcp.f32 v12  }
0x9d: {  	v22 =	vld [tilespmem:$0x119B0];
	(erf) = vrcp.f32 v13  }
0x9e: {  	v55 =	vld [tilespmem:$0x10D70]  }
0x9f: {  	v21 =	vld.idx.msk [tilespmem:v6+s2+$0x0], $0xffff  }
0xa0: {  	v56 =	vld.idx.msk [tilespmem:v7+s2+$0x0], $0xffff;
	v9 =	vadd.f32 v10, v9;
	v10 =	vadd.f32 v15, v11  }
0xa1: {  	v23 =	vld [tilespmem:$0x10130]  }
0xa2: {  	v57 =	vld.idx.msk [tilespmem:v7+s18+$0x0], $0xffff;
	v25 =	vmul.f32 v10, v10;
	v10 =	vmul.f32 v22, v10  }
0xa3: {  	v11 =	vld.idx.msk [tilespmem:v6+s18+$0x0], $0xffff;
	v24 =	vmul.f32 v9, v9;
	v9 =	vmul.f32 v55, v9  }
0xa4: {  	v58 =	vld.idx.msk [tilespmem:v8+s2+$0x0], $0xffff;
	v20 =	vmul.f32 $-3.999999990e-06, v20  }
0xa5: {  	v60 =	vld.idx.msk [tilespmem:v8+s18+$0x0], $0xffff;
	v18 =	vadd.f32 v19, v18;
	v9 =	vadd.f32 v10, v9;
	v26 =	vpop (erf)  }
0xa6: {  	v16 =	vadd.f32 v17, v16;
	v24 =	vadd.f32 v25, v24;
	v59 =	vmul.f32 v26, v20;
	v10 =	vpop (erf)  }
0xa7: {  	v12 =	vadd.f32 v54, v53;
	v9 =	vsub.f32 v9, v18;
	v10 =	vmul.f32 v10, v23  }
0xa8: {  	v62 =	vmul.f32 v20, v16;
	v11 =	vadd.f32 v11, v21;
	v61 =	vmul.f32 v59, v24  }
0xa9: {  	v13 =	vadd.f32 v57, v56;
	v9 =	vmul.f32 $-2.000000090e-03, v9;
	v12 =	vmul.f32 v10, v12  }
0xaa: {  	v63 =	vadd.f32 v60, v58;
	v14 =	vadd.f32 v61, v62;
	v10 =	vmul.f32 v10, v11  }
0xab: {  	[tilespmem:$0x13230] =	vst v9;
	v11 =	vadd.f32 v12, v13  }
0xac: {  	[tilespmem:$0x125F0] =	vst v14;
	v9 =	vadd.f32 v10, v63  }
0xad: {  	[tilespmem:$0x13E70] =	vst v11  }
0xae: {  	[tilespmem:$0x14AB0] =	vst v9  }
0xaf: {  	[hbm4b:s12+s2] =	stream.linear.scatter [tilespmem:s26], [sflag:$0x1], $0xC40, $0x38;
	[tilespmem:$0x14AC0] =	vst v63  }
0xb0: {  	_ =	swait.ge [sflag:s17], $0xC40  }
0xb1: {  	[sflag:s17] =	ssyncset.done $0x0  }
0xb2: {  	[sflag:s17] =	ssyncadd.s32 $0xFFFFF3C0  }
0xb3: {  	[hbm4b:s13+s2] =	stream.linear.scatter [tilespmem:s28], [sflag:$0x1], $0xC40, $0x38;
	[tilespmem:$0x14AC0] =	vst v63  }
0xb4: {  	_ =	swait.ge [sflag:s17], $0xC40  }
0xb5: {  	[sflag:s17] =	ssyncset.done $0x0  }
0xb6: {  	[sflag:s17] =	ssyncadd.s32 $0xFFFFF3C0  }
0xb7: {  	[hbm4b:s14+s2] =	stream.linear.scatter [tilespmem:s29], [sflag:$0x1], $0xC40, $0x38;
	[tilespmem:$0x14AC0] =	vst v63  }
0xb8: {  	_ =	swait.ge [sflag:s17], $0xC40  }
0xb9: {  	[sflag:s17] =	ssyncset.done $0x0  }
.Ltmp4:
0xba: {  	[sflag:s17] =	ssyncadd.s32 $0xFFFFF3C0;
	(pc) =	sbr.rel .LBB2_6-.Ltmp4, $4  }
0xbb: {  	[hbm4b:s15+s2] =	stream.linear.scatter [tilespmem:s30], [sflag:$0x1], $0xC40, $0x38;
	[tilespmem:$0x14AC0] =	vst v63  }
0xbc: {  	_ =	swait.ge [sflag:s17], $0xC40  }
0xbd: {  	[sflag:s17] =	ssyncset.done $0x0  }
0xbe: {  	[sflag:s17] =	ssyncadd.s32 $0xFFFFF3C0  }
.LBB2_7:
0xbf: {  	_ =	sfence.sel $0x180000  }
0xc0: {  	[bflag:$0x0] =	sbarrier.arrive $0xFFFF  }
0xc1: {  	_ =	strace $0x9000004D  }
0xc2: {  	s0 =	stileid.u32;
	[bflag:$0x2] =	sbarrier.arrive $0xFFFF  }
0xc3: {  	p0 =	sne.s32 s0, $0x0;
	s0 =	rddreg [dreg:$0x4]  }
0xc4: {  	s0 =	sadd.s32 @!p0 $0x100000, s0  }
0xc5: {  	[sflag:s0] =	ssyncadd.tile.s32 @!p0 $0x1;
	_ =	shalt  }
.Lfunc_end2:
_tile_overlayer_lowered:
.L_overlay_start_2:
0xc6: {  	(tag) =	ssettag $0x2  }
0xc7: {  	s0 =	rddreg [dreg:$0x0];
	s2 =	stileid.u32  }
0xc8: {  	s1 =	rddreg [dreg:$0x1];
	p0 =	sne.s32 s2, $0x0  }
0xc9: {  	s3 =	rddreg [dreg:$0x2];
	[bflag:$0x3] =	sbarrier.arrive $0xFFFF;
	s2 =	simm.s32 @!p0 $0x1C01  }
0xca: {  	[timem:s3], [sflag:s2] =	dma.local @!p0 [hbm:s0], s1  }
0xcb: {  	s0 =	simm.s32 @!p0 $0x1  }
0xcc: {  	_ =	swait.ge @!p0 [sflag:s0], s1  }
0xcd: {  	s1 =	ssub.s32 @!p0 $0x0, s1;
	[sflag:s0] =	ssyncset.done @!p0 $0x0  }
0xce: {  	[sflag:s0] =	ssyncadd.s32 @!p0 s1  }
0xcf: {  	[bflag:$0x3] =	sbarrier.arrive $0xFFFF  }
0xd0: {  	_ =	shalt  }

// kernel: kernel.7.cloned.1.call-start
scs
__scs_entry_jumppad:
0x0: {  	(pc) =	sbr.rel $0x88, $3  }
0x1: {  	(tag) =	ssettag $0x0;
	lr =	simm.s32 $0x1  }
0x2: {  	[smem:$0x3F98] =	sst lr;
	_ =	strace $0xD0000000  }
0x3: {  	_ = 	snop  }
0x4: {  	_ = 	snop  }
0x5: {  	_ = 	snop  }
0x6: {  	_ = 	snop  }
0x7: {  	_ = 	snop  }
__scs_overlays_trampoline_lowered:
0x8: {  	[smem:$0x3FA7] =	sst s0  }
0x9: {  	[smem:$0x3FA8] =	sst s1  }
0xa: {  	[smem:$0x3FA9] =	sst s2  }
0xb: {  	[smem:$0x3FAA] =	sst s3  }
0xc: {  	[smem:$0x3FAB] =	sst s4  }
0xd: {  	[smem:$0x3FAC] =	sst s5  }
0xe: {  	[smem:$0x3FAD] =	sst s6  }
0xf: {  	[smem:$0x3FAE] =	sst s7  }
0x10: {  	[smem:$0x3FAF] =	sst s8  }
0x11: {  	[smem:$0x3FB0] =	sst s9;
	s0 =	simm.s32 @!p0 $0x0  }
0x12: {  	s1 =	sld [smem:$0x3F96];
	s0 =	simm.s32 @p0 $0x1  }
0x13: {  	[smem:$0x3FB1] =	sst s0;
	s0 =	simm.s32 @!p1 $0x0  }
0x14: {  	s2 =	sld [smem:$0x3F95];
	s0 =	simm.s32 @p1 $0x1  }
0x15: {  	[smem:$0x3FB2] =	sst s0;
	s0 =	simm.s32 @!p2 $0x0  }
0x16: {  	s3 =	sld [smem:$0x3FDB];
	s0 =	simm.s32 @p2 $0x1  }
0x17: {  	s4 =	simm.s32 $0x1BF5;
	[smem:$0x3FB4] =	sst s0  }
0x18: {  	s0 =	sld [smem:$0x3F97];
	_ =	swait.ge [sflag:s4], $0x0  }
0x19: {  	s7 =	sld [smem:$0x3F98]  }
0x1a: {  	s8 =	sadd.s32 $0xFFFFE003, lr  }
0x1b: {  	s9 =	sadd.s32 $0xFFFFFEF7, lr;
	s5 =	simm.s32 $0xFFFFFFFF;
	p2 =	slt.u32 s8, $0xFFFFF086  }
0x1c: {  	p1 =	slt.u32 s9, $0xF7A;
	s5 =	simm.s32 @!p2 $0x0  }
0x1d: {  	s5 =	simm.s32 @p1 $0x1;
	p0 =	seq.s32 s7, s2  }
0x1e: {  	s7 =	smul.u32 @!p0 $0xF7A, s2;
	p2 =	seq.s32 @!p0 s5, $0x0  }
0x1f: {  	s9 =	smul.u32 $0xF7A, s1;
	s8 =	simm.s32 @!p0 $0x1BF5;
	p2 =	por !p2, p0  }
0x20: {  	[sflag:s8] =	ssyncset.s32 @!p0 $0xFFFFF086;
	s6 =	sadd.s32 @!p0 s3, s7;
	s7 =	simm.s32 @!p0 $0x108  }
0x21: {  	s3 =	sadd.s32 s3, s9;
	s6 =	sadd.s32 @!p0 $0x88, s6;
	s7 =	simm.s32 @p2 $0x1082  }
0x22: {  	[simem:s7], [sflag:s8] =	dma.local @!p0 [hbm:s6], $0xF7A  }
0x23: {  	s9 =	sor.u32 $0xD0000000, s2;
	s6 =	simm.s32 $0x108;
	_ =	swait.ge @!p0 [sflag:s8], $0x0  }
0x24: {  	s3 =	sadd.s32 $0x88, s3;
	s6 =	simm.s32 @!p1 $0x1082;
	[sflag:s4] =	ssyncset.s32 $0xFFFFF086  }
0x25: {  	[simem:s6], [sflag:s4] =	dma.local [hbm:s3], $0xF7A  }
0x26: {  	[smem:$0x3F98] =	sst s1;
	(tag) =	ssettag s2;
	_ =	strace s9  }
0x27: {  	s1 =	sld [smem:$0x3FA8]  }
0x28: {  	s2 =	sld [smem:$0x3FA9]  }
0x29: {  	s4 =	sld [smem:$0x3FAB]  }
0x2a: {  	p0 =	seq.s32 s5, $0x0;
	s5 =	sld [smem:$0x3FAC]  }
0x2b: {  	s6 =	sld [smem:$0x3FAD]  }
0x2c: {  	s7 =	sld [smem:$0x3FAE]  }
0x2d: {  	s3 =	simm.s32 $0x108;
	s8 =	sld [smem:$0x3FAF]  }
0x2e: {  	s3 =	simm.s32 @!p0 $0x1082;
	s9 =	sld [smem:$0x3FB0]  }
0x2f: {  	lr =	sadd.s32 s0, s3;
	s0 =	sld [smem:$0x3FA7]  }
0x30: {  	s3 =	sld [smem:$0x3FAA]  }
0x31: {  	[smem:$0x3FB3] =	sst s10  }
0x32: {  	s10 =	sld [smem:$0x3FB1];
	_ =	sdelay $0x3  }
0x33: {  	p0 =	seq.s32 s10, $0x1;
	s10 =	sld [smem:$0x3FB3];
	_ =	sdelay $0x3  }
0x34: {  	[smem:$0x3FB3] =	sst s10  }
0x35: {  	s10 =	sld [smem:$0x3FB2];
	_ =	sdelay $0x3  }
0x36: {  	p1 =	seq.s32 s10, $0x1;
	s10 =	sld [smem:$0x3FB3];
	_ =	sdelay $0x3  }
0x37: {  	[smem:$0x3FB3] =	sst s10  }
0x38: {  	s10 =	sld [smem:$0x3FB4]  }
0x39: {  	_ = 	snop;
	(pc) =	sbr.ind lr, $3  }
0x3a: {  	_ = 	snop  }
0x3b: {  	_ = 	snop  }
0x3c: {  	p2 =	seq.s32 s10, $0x1;
	s10 =	sld [smem:$0x3FB3]  }
0x3d: {  	_ =	shalt  }
0x3e: {  	_ =	shalt  }
0x3f: {  	_ =	shalt  }
0x40: {  	_ =	shalt  }
0x41: {  	_ =	shalt  }
0x42: {  	_ =	shalt  }
0x43: {  	_ =	shalt  }
0x44: {  	_ =	shalt  }
0x45: {  	_ =	shalt  }
0x46: {  	_ =	shalt  }
0x47: {  	_ =	shalt  }
0x48: {  	_ =	shalt  }
0x49: {  	_ =	shalt  }
0x4a: {  	_ =	shalt  }
0x4b: {  	_ =	shalt  }
0x4c: {  	_ =	shalt  }
0x4d: {  	_ =	shalt  }
0x4e: {  	_ =	shalt  }
0x4f: {  	_ =	shalt  }
0x50: {  	_ =	shalt  }
0x51: {  	_ =	shalt  }
0x52: {  	_ =	shalt  }
0x53: {  	_ =	shalt  }
0x54: {  	_ =	shalt  }
0x55: {  	_ =	shalt  }
0x56: {  	_ =	shalt  }
0x57: {  	_ =	shalt  }
0x58: {  	_ =	shalt  }
0x59: {  	_ =	shalt  }
0x5a: {  	_ =	shalt  }
0x5b: {  	_ =	shalt  }
0x5c: {  	_ =	shalt  }
0x5d: {  	_ =	shalt  }
0x5e: {  	_ =	shalt  }
0x5f: {  	_ =	shalt  }
0x60: {  	_ =	shalt  }
0x61: {  	_ =	shalt  }
0x62: {  	_ =	shalt  }
0x63: {  	_ =	shalt  }
0x64: {  	_ =	shalt  }
0x65: {  	_ =	shalt  }
0x66: {  	_ =	shalt  }
0x67: {  	_ =	shalt  }
0x68: {  	_ =	shalt  }
0x69: {  	_ =	shalt  }
0x6a: {  	_ =	shalt  }
0x6b: {  	_ =	shalt  }
0x6c: {  	_ =	shalt  }
0x6d: {  	_ =	shalt  }
0x6e: {  	_ =	shalt  }
0x6f: {  	_ =	shalt  }
0x70: {  	_ =	shalt  }
0x71: {  	_ =	shalt  }
0x72: {  	_ =	shalt  }
0x73: {  	_ =	shalt  }
0x74: {  	_ =	shalt  }
0x75: {  	_ =	shalt  }
0x76: {  	_ =	shalt  }
0x77: {  	_ =	shalt  }
0x78: {  	_ =	shalt  }
0x79: {  	_ =	shalt  }
0x7a: {  	_ =	shalt  }
0x7b: {  	_ =	shalt  }
0x7c: {  	_ =	shalt  }
0x7d: {  	_ =	shalt  }
0x7e: {  	_ =	shalt  }
0x7f: {  	_ =	shalt  }
0x80: {  	_ =	shalt  }
0x81: {  	_ =	shalt  }
0x82: {  	_ =	shalt  }
0x83: {  	_ =	shalt  }
0x84: {  	_ =	shalt  }
0x85: {  	_ =	shalt  }
0x86: {  	_ =	shalt  }
0x87: {  	_ =	shalt  }
.Lfunc_end0:
.L_simem_size_0:
called_computation_lowered:
.L_overlay_start_0:
0x88: {  	s2 =	sld [smem:$0x3FD9]  }
0x89: {  	s3 =	sld [smem:$0x3FFE];
	_ =	sdelay $0x1  }
0x8a: {  	s1 =	srdreg.scid  }
0x8b: {  	s0 =	sand.u32 $0x1, s1  }
0x8c: {  	s14 =	sshll.u32 s0, $0xA;
	s2 =	sadd.s32 s3, s2  }
0x8d: {  	s2 =	sadd.s32 s2, s14  }
0x8e: {  	[smem:$0x3FBF] =	sst s2  }
0x8f: {  	_ = 	snop  }
0x90: {  	s2 =	sld [smem:$0x3FD0];
	_ =	sdelay $0x2  }
0x91: {  	s15 =	simm.s32 $0xA;
	s4 =	simm.s32 $0x10  }
0x92: {  	[smem:s4], [sflag:s15] =	dma.local [hbm:s2], $0x1  }
0x93: {  	_ =	swait.eq [sflag:s15], $0x1  }
0x94: {  	[sflag:s15] =	ssyncset.done $0x0  }
0x95: {  	[sflag:s15] =	ssyncadd.s32 $0xFFFFFFFF  }
0x96: {  	s16 =	sld [smem:$0x12];
	(tm) =	ssettm $0x1  }
0x97: {  	s17 =	sld [smem:$0x3FFB];
	_ =	sdelay $0x3  }
0x98: {  	_ =	strace s17  }
0x99: {  	s3 =	sld [smem:$0x3FFC];
	_ =	sdelay $0x3  }
0x9a: {  	_ =	strace s3  }
0x9b: {  	s3 =	sld [smem:$0x3FFD];
	_ =	sdelay $0x3  }
0x9c: {  	_ =	strace s3  }
0x9d: {  	_ =	strace $0x8FFFFFFF  }
0x9e: {  	s18 =	sld [smem:$0x3FDB];
	_ =	sdelay $0x1  }
0x9f: {  	s19 =	simm.s32 $_scs_section_size  }
0xa0: {  	s5 =	simm.s32 $_size__tile_overlayer_lowered;
	s6 =	simm.s32 $_tile_overlayer_lowered  }
0xa1: {  	s22 =	simm.s32 $0x1BFF;
	s21 =	sshll.u32 s6, $0x1;
	s3 =	sadd.s32 s19, s18  }
0xa2: {  	s7 =	simm.s32 $0x0;
	s20 =	sshll.u32 s5, $0x1;
	s5 =	sadd.s32 s21, s3  }
0xa3: {  	[timem:s7], [sflag:s22] =	dma.local [hbm:s5], s20  }
0xa4: {  	_ =	swait.ge [sflag:s22], s20  }
0xa5: {  	s4 =	ssub.s32 $0x0, s20;
	[sflag:s22] =	ssyncset.done $0x0  }
0xa6: {  	[sflag:s22] =	ssyncadd.s32 s4;
	_ =	sdelay $0x1  }
0xa7: {  	s23 =	simm.s32 $0x1B8B  }
0xa8: {  	_ =	swait.ge [sflag:s23], $0x1  }
0xa9: {  	[sflag:s23] =	ssyncset.done $0x0  }
0xaa: {  	s25 =	simm.s32 $0x1B8E;
	s24 =	sld [smem:$0x3FFE];
	[sflag:s23] =	ssyncadd.s32 $0xFFFFFFFF  }
0xab: {  	s26 =	simm.s32 $execute0_lowered;
	[smem:$0x3FD2] =	sst s25  }
0xac: {  	s5 =	sshll.u32 s26, $0x1;
	_ =	strace $0x80000046;
	[dreg:$0x1] =	wrdreg $0xFFFFFFFF  }
0xad: {  	s28 =	simm.s32 $_size_execute0_lowered;
	s3 =	sadd.s32 s3, s5;
	[dreg:$0x0] =	wrdreg $0x0  }
0xae: {  	s5 =	sshll.u32 s28, $0x1;
	[dreg:$0x2] =	wrdreg s3  }
0xaf: {  	[dreg:$0x3] =	wrdreg s5  }
0xb0: {  	[dreg:$0x4] =	wrdreg $0xC0  }
0xb1: {  	_ =	task [dreg:s7], $0x5FFFF  }
0xb2: {  	[dreg:$0x1] =	wrdreg $0xFFFFFFFF  }
0xb3: {  	[dreg:$0x0] =	wrdreg $0x60  }
0xb4: {  	[dreg:$0x2] =	wrdreg s24  }
0xb5: {  	[dreg:$0x3] =	wrdreg s16  }
0xb6: {  	[dreg:$0x4] =	wrdreg $0x9  }
0xb7: {  	_ =	task.clear_ibuf [dreg:s7], $0x5FFFF;
	_ =	strace $0x90000046  }
0xb8: {  	s29 =	simm.s32 $0x9;
	_ =	strace $0x80000048  }
0xb9: {  	_ =	swait.ge [sflag:s29], $0x1  }
0xba: {  	[sflag:s29] =	ssyncadd.s32 $0xFFFFFFFF  }
0xbb: {  	_ =	strace $0x90000048  }
0xbc: {  	_ =	sfence  }
0xbd: {  	s30 =	sld [smem:$0x0];
	_ =	sdelay $0x2  }
0xbe: {  	s31 =	sshll.u32 s1, $0xD;
	s1 =	sshrl.u32 s1, $0x2  }
0xbf: {  	s3 =	sand.u32 $0x4000, s31;
	s1 =	sadd.s32 s1, s30  }
0xc0: {  	s0 =	sor.u32 s3, s0;
	s1 =	sshll.u32 s1, $0x11  }
0xc1: {  	s0 =	sor.u32 s1, s0  }
0xc2: {  	s0 =	sadd.s32 $0x8F2B, s0  }
0xc3: {  	[sflag:s0] =	ssyncadd.remote.s32 $0x1  }
0xc4: {  	_ =	sfence.sel $0xFFFF  }
0xc5: {  	[dreg:$0x0] =	wrdreg $0xFFFFFFFF;
	(pc) =	sbr.abs _section_cstart, $3  }
0xc6: {  	[dreg:$0x1] =	wrdreg $0xFFFFFFFF  }
0xc7: {  	_ =	task.clear_ibuf [dreg:s7], $0x2FFFF;
	_ =	strace $0x9FFFFFFF  }
0xc8: {  	(tm) =	ssettm $0x7FFFFFFF  }
0xc9: {  	_ =	shalt  }
tec
execute0_lowered:
.L_overlay_start_1:
0x0: {  	(tag) =	ssettag $0x1  }
0x1: {  	s1 =	srdreg.scid;
	s0 =	stileid.u32  }
0x2: {  	s4 =	rddreg [dreg:$0x0];
	s3 =	sand.u32 $0x1, s1;
	s30 =	sshll.u32 s0, $0x1  }
0x3: {  	s8 =	rddreg [dreg:$0x1];
	s1 =	sor.u32 s3, s30  }
0x4: {  	s15 =	simm.s32 $0x0;
	p0 =	slt.u32 s0, $0x5;
	s2 =	smul.u32 $0xC30, s1  }
0x5: {  	s13 =	sadd.s32 $0x14400, s4;
	s3 =	ssub.s32 $0x2, s3;
	s11 =	smul.u32 $0xC40, s1  }
0x6: {  	s1 =	rddreg [dreg:$0x2];
	s31 =	sshrl.u32 s3, $0x1;
	s10 =	sadd.s32 $0xA0, s2  }
0x7: {  	s14 =	ssub.s32 s3, s31;
	s2 =	simm.s32 $0x0;
	s5 =	smov.u32 s10  }
0x8: {  	[smem:$0x7FF] =	sst s2;
	s10 =	sadd.s32 s13, s10;
	s5 =	smov.u32 @p0 s11  }
0x9: {  	_ =	strace $0x80000047;
	s11 =	sadd.s32 s13, s11;
	s9 =	sshrl.u32 s5, $0x3  }
0xa: {  	s13 =	simm.s32 $0x1;
	p0 =	sgt.u32 s0, $0x4;
	s12 =	sadd.s32 s9, s4  }
0xb: {  	s8 =	sadd.s32 s8, s9;
	s3 =	sadd.s32 $0x1800, s12;
	s4 =	sadd.s32 $0x4A00, s12  }
0xc: {  	v0 =	vlaneseq.u32;
	s5 =	sadd.s32 $0x7C00, s12;
	s6 =	sadd.s32 $0xAE00, s12;
	s7 =	sadd.s32 $0xE000, s12  }
0xd: {  	v0 =	vmul.u32 $0x8, v0;
	s9 =	sadd.s32 $0x11200, s12;
	s12 =	smax.u32 s14, $0x1;
	s14 =	simm.s32 $0x55C0  }
.LBB2_1:
0xe: {  	[tilespmem:s2], [sflag:$0x1] =	stream.linear.gather [hbm4b:s3+s2], $0xC40, $0x38;
	[tilespmem:$0xB7C0] =	vst v63  }
0xf: {  	_ =	swait.ge [sflag:s13], $0xC40  }
0x10: {  	[sflag:s13] =	ssyncset.done $0x0  }
0x11: {  	s16 =	simm.s32 $0xC40;
	[sflag:s13] =	ssyncadd.s32 $0xFFFFF3C0  }
0x12: {  	[tilespmem:s16], [sflag:$0x1] =	stream.linear.gather [hbm4b:s4+s2], $0xC40, $0x38;
	[tilespmem:$0xB7C0] =	vst v63  }
0x13: {  	_ =	swait.ge [sflag:s13], $0xC40  }
0x14: {  	[sflag:s13] =	ssyncset.done $0x0  }
0x15: {  	s17 =	simm.s32 $0x1880;
	[sflag:s13] =	ssyncadd.s32 $0xFFFFF3C0  }
0x16: {  	[tilespmem:s17], [sflag:$0x1] =	stream.linear.gather [hbm4b:s5+s2], $0xC40, $0x38;
	[tilespmem:$0xB7C0] =	vst v63  }
0x17: {  	_ =	swait.ge [sflag:s13], $0xC40  }
0x18: {  	[sflag:s13] =	ssyncset.done $0x0  }
0x19: {  	s18 =	simm.s32 $0x24C0;
	[sflag:s13] =	ssyncadd.s32 $0xFFFFF3C0  }
0x1a: {  	[tilespmem:s18], [sflag:$0x1] =	stream.linear.gather [hbm4b:s6+s2], $0xC40, $0x38;
	[tilespmem:$0xB7C0] =	vst v63  }
0x1b: {  	_ =	swait.ge [sflag:s13], $0xC40  }
0x1c: {  	[sflag:s13] =	ssyncset.done $0x0  }
0x1d: {  	s19 =	simm.s32 $0x3100;
	[sflag:s13] =	ssyncadd.s32 $0xFFFFF3C0  }
0x1e: {  	[tilespmem:s19], [sflag:$0x1] =	stream.linear.gather [hbm4b:s7+s2], $0xC40, $0x38;
	[tilespmem:$0xB7C0] =	vst v63  }
0x1f: {  	_ =	swait.ge [sflag:s13], $0xC40  }
0x20: {  	[sflag:s13] =	ssyncset.done $0x0  }
0x21: {  	s20 =	simm.s32 $0x3D40;
	[sflag:s13] =	ssyncadd.s32 $0xFFFFF3C0  }
0x22: {  	[tilespmem:s20], [sflag:$0x1] =	stream.linear.gather [hbm4b:s8+s2], $0xC40, $0x38;
	[tilespmem:$0xB7C0] =	vst v63  }
0x23: {  	_ =	swait.ge [sflag:s13], $0xC40  }
0x24: {  	[sflag:s13] =	ssyncset.done $0x0  }
0x25: {  	s21 =	simm.s32 $0x4980;
	[sflag:s13] =	ssyncadd.s32 $0xFFFFF3C0  }
0x26: {  	[tilespmem:s21], [sflag:$0x1] =	stream.linear.gather [hbm4b:s9+s2], $0xC40, $0x38;
	[tilespmem:$0xB7C0] =	vst v63  }
0x27: {  	_ =	swait.ge [sflag:s13], $0xC40  }
0x28: {  	[sflag:s13] =	ssyncset.done $0x0  }
0x29: {  	[sflag:s13] =	ssyncadd.s32 $0xFFFFF3C0  }
0x2a: {  	v1 =	vld [tilespmem:s16+$0x0]  }
0x2b: {  	v2 =	vld [tilespmem:s18+$0x0]  }
0x2c: {  	v3 =	vld [tilespmem:s2+$0x0];
	_ =	sdelay $0x3  }
0x2d: {  	v2 =	vmul.f32 v2, v1  }
0x2e: {  	v3 =	vmul.f32 v1, v3  }
0x2f: {  	v1 =	vmul.f32 v2, v2  }
0x30: {  	(erf) = vrcp.f32 v3  }
0x31: {  	(erf) = vrcp.f32 v1;
	_ =	sdelay $0x2  }
0x32: {  	v2 =	vld [tilespmem:s17+$0x0]  }
0x33: {  	v1 =	vmov s2  }
0x34: {  	v4 =	vld [tilespmem:s19+$0x0];
	v1 =	vshll.u32 v1, $0x3  }
0x35: {  	v5 =	vor.u32 v0, v1  }
0x36: {  	v6 =	vor.u32 $0x1, v5  }
0x37: {  	v7 =	vmul.f32 v2, v2;
	v8 =	vor.u32 $0x2, v5;
	v9 =	vpop (erf)  }
0x38: {  	v62 =	vor.u32 $0x3, v5;
	v10 =	vpop (erf)  }
0x39: {  	v11 =	vld [tilespmem:s20+$0x0];
	v3 =	vsub.f32 $0.0e+00, v3;
	v7 =	vmul.f32 v9, v7;
	v4 =	vmul.f32 v10, v4  }
0x3a: {  	v1 =	vld [tilespmem:s21+$0x0];
	[tilespmem:v5+s14+$0x0] =	vst.idx.msk $0xffff, v2  }
0x3b: {  	[tilespmem:v6+s14+$0x0] =	vst.idx.msk $0xffff, v7;
	v2 =	vmul.f32 v4, v3  }
0x3c: {  	v63 =	vor.u32 $0x4, v5;
	[tilespmem:v8+s14+$0x0] =	vst.idx.msk $0xffff, v3  }
0x3d: {  	[tilespmem:v62+s14+$0x0] =	vst.idx.msk $0xffff, v2;
	v2 =	vor.u32 $0x5, v5;
	_ =	sdelay $0x2  }
0x3e: {  	s22 =	simm.s32 $0x3D50;
	s23 =	simm.s32 $0x0;
	s18 =	simm.s32 $0x10  }
0x3f: {  	s19 =	simm.s32 $0x4990;
	s20 =	simm.s32 $0x24D0;
	s21 =	simm.s32 $0x3110;
	[tilespmem:v63+s14+$0x0] =	vst.idx.msk $0xffff, v11  }
.LBB2_2:
0x40: {  	[tilespmem:v2+s14+$0x0] =	vst.idx.msk $0xffff, v1;
	s23 =	sadd.s32 $0x10, s23;
	s16 =	sadd.s32 $0x10, s16;
	s17 =	sadd.s32 $0x10, s17  }
0x41: {  	p1 =	sne.s32 s18, $0xC30;
	s24 =	smov.u32 s18;
	s18 =	sadd.s32 $0x10, s18;
	v1 =	vld [tilespmem:s16+$0x0]  }
0x42: {  	v2 =	vld [tilespmem:s20+$0x0]  }
0x43: {  	v3 =	vld [tilespmem:s23+$0x0];
	_ =	sdelay $0x3  }
0x44: {  	v2 =	vmul.f32 v2, v1  }
0x45: {  	v3 =	vmul.f32 v1, v3  }
0x46: {  	v1 =	vmul.f32 v2, v2  }
0x47: {  	(erf) = vrcp.f32 v3  }
0x48: {  	(erf) = vrcp.f32 v1;
	_ =	sdelay $0x1  }
0x49: {  	v2 =	vld [tilespmem:s17+$0x0]  }
0x4a: {  	v1 =	vmov s24  }
0x4b: {  	v1 =	vshll.u32 v1, $0x3  }
0x4c: {  	v5 =	vor.u32 v0, v1;
	v4 =	vld [tilespmem:s21+$0x0]  }
0x4d: {  	v6 =	vor.u32 $0x1, v5  }
0x4e: {  	v8 =	vor.u32 $0x2, v5;
	v7 =	vmul.f32 v2, v2  }
0x4f: {  	v1 =	vld [tilespmem:s19+$0x0];
	v9 =	vpop (erf)  }
0x50: {  	v10 =	vld [tilespmem:s22+$0x0];
	v7 =	vmul.f32 v9, v7;
	v9 =	vor.u32 $0x3, v5;
	v11 =	vpop (erf)  }
0x51: {  	v3 =	vsub.f32 $0.0e+00, v3;
	v4 =	vmul.f32 v11, v4;
	[tilespmem:v5+s14+$0x0] =	vst.idx.msk $0xffff, v2;
	v11 =	vor.u32 $0x4, v5  }
.Ltmp0:
0x52: {  	v2 =	vor.u32 $0x5, v5;
	[tilespmem:v6+s14+$0x0] =	vst.idx.msk $0xffff, v7;
	(pc) =	sbr.rel @p1 .LBB2_2-.Ltmp0, $3  }
0x53: {  	v4 =	vmul.f32 v4, v3;
	[tilespmem:v8+s14+$0x0] =	vst.idx.msk $0xffff, v3;
	_ =	sdelay $0x1  }
0x54: {  	s19 =	sadd.s32 $0x10, s19;
	[tilespmem:v9+s14+$0x0] =	vst.idx.msk $0xffff, v4  }
0x55: {  	s20 =	sadd.s32 $0x10, s20;
	s21 =	sadd.s32 $0x10, s21;
	s22 =	sadd.s32 $0x10, s22;
	[tilespmem:v11+s14+$0x0] =	vst.idx.msk $0xffff, v10  }
0x56: {  	_ =	sdelay $0x3  }
0x57: {  	[tilespmem:v2+s14+$0x0] =	vst.idx.msk $0xffff, v1;
	s16 =	simm.s32 @p0 $0x0;
	s17 =	simm.s32 @p0 $0x55C0  }
0x58: {  	[hbm4b:s10+s16] =	stream.linear.scatter @p0 [tilespmem:s17], [sflag:$0x1], $0x6180, $0x38;
	[tilespmem:$0xB7C0] =	vst v63  }
0x59: {  	s16 =	simm.s32 @p0 $0x1  }
0x5a: {  	_ =	swait.ge @p0 [sflag:s16], $0x6180  }
0x5b: {  	s15 =	sadd.s32 $0x1, s15;
	s17 =	simm.s32 @!p0 $0x55C0;
	[sflag:s16] =	ssyncset.done @p0 $0x0  }
0x5c: {  	p1 =	sne.s32 s15, s12;
	[sflag:s16] =	ssyncadd.s32 @p0 $0xFFFF9E80;
	s16 =	simm.s32 @!p0 $0x0  }
0x5d: {  	[hbm4b:s11+s16] =	stream.linear.scatter @!p0 [tilespmem:s17], [sflag:$0x1], $0x6200, $0x38;
	[tilespmem:$0xB7C0] =	vst v63  }
.Ltmp1:
0x5e: {  	_ = 	snop;
	(pc) =	sbr.rel @p1 .LBB2_1-.Ltmp1, $4  }
0x5f: {  	s16 =	simm.s32 @!p0 $0x1  }
0x60: {  	_ =	swait.ge @!p0 [sflag:s16], $0x6200  }
0x61: {  	[sflag:s16] =	ssyncset.done @!p0 $0x0  }
0x62: {  	[sflag:s16] =	ssyncadd.s32 @!p0 $0xFFFF9E00  }
0x63: {  	_ =	sfence.sel $0x180000  }
0x64: {  	[bflag:$0x0] =	sbarrier.arrive $0xFFFF  }
0x65: {  	p0 =	sne.s32 s0, $0x0;
	_ =	strace $0x90000047  }
0x66: {  	s0 =	sadd.s32 @!p0 $0x100000, s1;
	[bflag:$0x2] =	sbarrier.arrive $0xFFFF  }
0x67: {  	[sflag:s0] =	ssyncadd.tile.s32 @!p0 $0x1;
	_ =	shalt  }
.Lfunc_end2:
_tile_overlayer_lowered:
.L_overlay_start_2:
0x68: {  	(tag) =	ssettag $0x2  }
0x69: {  	s0 =	rddreg [dreg:$0x0];
	s2 =	stileid.u32  }
0x6a: {  	s1 =	rddreg [dreg:$0x1];
	p0 =	sne.s32 s2, $0x0  }
0x6b: {  	s3 =	rddreg [dreg:$0x2];
	[bflag:$0x3] =	sbarrier.arrive $0xFFFF;
	s2 =	simm.s32 @!p0 $0x1C01  }
0x6c: {  	[timem:s3], [sflag:s2] =	dma.local @!p0 [hbm:s0], s1  }
0x6d: {  	s0 =	simm.s32 @!p0 $0x1  }
0x6e: {  	_ =	swait.ge @!p0 [sflag:s0], s1  }
0x6f: {  	s1 =	ssub.s32 @!p0 $0x0, s1;
	[sflag:s0] =	ssyncset.done @!p0 $0x0  }
0x70: {  	[sflag:s0] =	ssyncadd.s32 @!p0 s1  }
0x71: {  	[bflag:$0x3] =	sbarrier.arrive $0xFFFF  }
0x72: {  	_ =	shalt  }

</sc_bundles>
